<compile_context>
chip_gen: v7x
topology: tpu7x:2x2x1
jax: 0.10.2.dev20260603
libtpu: 0.0.44.dev20260713+nightly
codegen_flags: <defaults>
</compile_context>

<pallas_src>
import functools

import jax
import jax.numpy as jnp
from jax import lax
from jax.experimental import pallas as pl
from jax.experimental.pallas import tpu as pltpu
from jax.experimental.pallas import tpu_sc as plsc




def _make_gather(batch: int, hist: int, dim: int, num_workers: int,
                 num_cores: int, chunk: int, nbuf: int):
  n_total = batch * hist
  n_per_w = n_total // num_workers
  n_chunks = n_per_w // chunk
  assert n_per_w % chunk == 0 and n_chunks % nbuf == 0 and chunk % 8 == 0
  n_outer = n_chunks // nbuf
  mesh = plsc.VectorSubcoreMesh(core_axis_name="c", subcore_axis_name="s")

  @functools.partial(
      pl.kernel,
      out_type=jax.ShapeDtypeStruct((n_total, dim), jnp.float32),
      mesh=mesh,
      scratch_types=[
          pltpu.VMEM((nbuf, chunk), jnp.int32),
          pltpu.VMEM((nbuf, chunk, dim), jnp.float32),
      ] + [pltpu.SemaphoreType.DMA] * (2 * nbuf),
      compiler_params=pltpu.CompilerParams(use_tc_tiling_on_sc=False),
  )
  def gather_kernel(idx_hbm, table_hbm, out_hbm, idx_v, rows_v, *sems):
    gsems, wsems = sems[:nbuf], sems[nbuf:]
    wid = lax.axis_index("s") * num_cores + lax.axis_index("c")
    base = pl.multiple_of(wid * n_per_w, 8)

    def start(g, b):
      off = pl.multiple_of(base + g * chunk, 8)
      pltpu.sync_copy(idx_hbm.at[pl.ds(off, chunk)], idx_v.at[b])
      pltpu.async_copy(table_hbm.at[idx_v.at[b]], rows_v.at[b], gsems[b])

    def wait_gather(b):
      pltpu.make_async_copy(table_hbm.at[idx_v.at[b]], rows_v.at[b],
                            gsems[b]).wait()

    def start_write(g, b):
      off = pl.multiple_of(base + g * chunk, 8)
      pltpu.async_copy(rows_v.at[b], out_hbm.at[pl.ds(off, chunk)],
                       wsems[b])

    def wait_write(g, b):
      off = pl.multiple_of(base + g * chunk, 8)
      pltpu.make_async_copy(rows_v.at[b], out_hbm.at[pl.ds(off, chunk)],
                            wsems[b]).wait()

    for b in range(nbuf):
      start(b, b)

    def body(t, carry):
      g0 = t * nbuf
      for b in range(nbuf):
        p = g0 + b
        wait_gather(b)
        start_write(p, b)
        nxt = p + nbuf

        @pl.when(nxt < n_chunks)
        def _refill():
          wait_write(p, b)
          start(nxt, b)
      return carry

    lax.fori_loop(0, n_outer, body, 0)

    for b in range(nbuf):
      wait_write(n_chunks - nbuf + b, b)

  return gather_kernel




def _make_out_retile(batch: int, hist: int, dim: int, bblk: int):
  assert batch % bblk == 0 and hist % 2 == 0
  hp = hist // 2
  rblk = bblk * hp

  def retile_kernel(x_ref, o_ref):
    x3 = x_ref[...].reshape(bblk, hp, 2 * dim)
    for k in range(hp):
      slab_t = x3[:, k, :].T
      o_ref[2 * k] = slab_t[:dim]
      o_ref[2 * k + 1] = slab_t[dim:]

  return pl.pallas_call(
      retile_kernel,
      grid=(batch // bblk,),
      in_specs=[pl.BlockSpec((rblk, 2 * dim), lambda i: (i, 0))],
      out_specs=pl.BlockSpec((hist, dim, bblk), lambda i: (0, 0, i)),
      out_shape=jax.ShapeDtypeStruct((hist, dim, batch), jnp.float32),
  )




def kernel(indices, embeddings):
  batch, hist = indices.shape
  vocab, dim = embeddings.shape
  pitch = 128
  info = plsc.get_sparse_core_info()
  num_workers = info.num_cores * info.num_subcores

  table2 = jnp.pad(embeddings, ((0, 0), (0, pitch - dim))).reshape(-1, dim)
  idx2 = indices.reshape(batch * hist) * 2

  gather = _make_gather(batch, hist, dim, num_workers, info.num_cores,
                        chunk=400, nbuf=4)
  rows = gather(idx2, table2)

  retile = _make_out_retile(batch, hist, dim, bblk=512)
  out_t = retile(rows.reshape(-1, 2 * dim))
  return jnp.transpose(out_t, (2, 0, 1))

# --- scband reference (transcript-rebuilt; emitter-appended) ---
"""Pipeline reference for scband-embedding-agent-21775484190774 (READ-ONLY COPY).

The authoritative reference and input builder live on the scoring server;
editing this copy changes nothing except your own understanding.
"""

import jax, jax.numpy as jnp
import numpy as np

VOCAB = 1000000
EMBED_DIM = 64
BATCH = 16384
HIST_LEN = 50

def setup_inputs(seed: int = 0) -> dict:
    key = jax.random.key(seed)
    k1, k2 = jax.random.split(key)
    indices = jax.random.randint(k1, (BATCH, HIST_LEN), 0, VOCAB, dtype=jnp.int64 if jax.config.jax_enable_x64 else jnp.int32).astype(jnp.int32)
    embeddings = jax.random.normal(k2, (VOCAB, EMBED_DIM), dtype=jnp.float32)
    return {"indices": indices, "embeddings": embeddings}

def reference(indices, embeddings):
    # EmbeddingAgent.embedder with a list of words -> self.embeddings[indices]
    # (dist_metric='l2' so no normalization of the table is applied at init)
    return jnp.take(embeddings, indices, axis=0)

if __name__ == "__main__":
    import jax
    _d = setup_inputs()
    print(jax.jit(kernel)(*tuple(_d.values())))

</pallas_src>

<mosaic_0001>
#map = affine_map<(d0, d1) -> (0)>
#map1 = affine_map<(d0, d1) -> (0, 0)>
module attributes {stable_mosaic.version = 14 : i64} {
  func.func @gather_kernel(%arg0: i32, %arg1: i32, %arg2: memref<819200xi32, #tpu.memory_space<hbm>>, %arg3: memref<2000000x64xf32, #tpu.memory_space<hbm>>, %arg4: memref<819200x64xf32, #tpu.memory_space<hbm>>, %arg5: memref<4x400xi32, #tpu.memory_space<vmem>>, %arg6: memref<4x400x64xf32, #tpu.memory_space<vmem>>, %arg7: memref<!tpu.dma_semaphore, #tpu.memory_space<semaphore_mem>>, %arg8: memref<!tpu.dma_semaphore, #tpu.memory_space<semaphore_mem>>, %arg9: memref<!tpu.dma_semaphore, #tpu.memory_space<semaphore_mem>>, %arg10: memref<!tpu.dma_semaphore, #tpu.memory_space<semaphore_mem>>, %arg11: memref<!tpu.dma_semaphore, #tpu.memory_space<semaphore_mem>>, %arg12: memref<!tpu.dma_semaphore, #tpu.memory_space<semaphore_mem>>, %arg13: memref<!tpu.dma_semaphore, #tpu.memory_space<semaphore_mem>>, %arg14: memref<!tpu.dma_semaphore, #tpu.memory_space<semaphore_mem>>) attributes {dimension_semantics = [#tpu.dimension_semantics<core_parallel>, #tpu.dimension_semantics<subcore_parallel>], iteration_bounds = array<i64: 2, 16>, scalar_prefetch = 0 : i64, scratch_operands = 10 : i64, tpu.core_type = #tpu.core_type<sc_vector_subcore>, window_params = [{transform_indices = #map}, {transform_indices = #map1}, {transform_indices = #map1}]} {
    %mul3A = arith.constant 2 : i32
    %mul3A_0 = arith.muli %arg1, %mul3A : i32
    %add3A = arith.addi %mul3A_0, %arg0 : i32
    %mul3A_1 = arith.constant 25600 : i32
    %mul3A_2 = arith.muli %add3A, %mul3A_1 : i32
    %multiple_of3A = tpu.assume_multiple %mul3A_2, 8 : i32
    %add3A_3 = arith.constant 0 : i32
    %add3A_4 = arith.addi %multiple_of3A, %add3A_3 : i32
    %multiple_of3A_5 = tpu.assume_multiple %add3A_4, 8 : i32
    %run_scoped3A = arith.constant 0 : i32
    "tpu.region"() ({
      %run_scoped3A_133 = tpu.sem_alloc : memref<!tpu.dma_semaphore, #tpu.memory_space<semaphore_mem>>
      %dma_start3A_134 = arith.constant 0 : i32
      %dma_start3A_135 = tpu.memref_slice %arg5[%run_scoped3A, %dma_start3A_134] : memref<4x400xi32, #tpu.memory_space<vmem>> -> memref<1x400xi32, #tpu.memory_space<vmem>>
      %dma_start3A_136 = tpu.memref_squeeze %dma_start3A_135 : memref<1x400xi32, #tpu.memory_space<vmem>> -> memref<400xi32, #tpu.memory_space<vmem>>
      %dma_start3A_137 = tpu.memref_slice %arg2[%multiple_of3A_5] : memref<819200xi32, #tpu.memory_space<hbm>> -> memref<400xi32, #tpu.memory_space<hbm>>
      %dma_start3A_138 = arith.constant 0 : i32
      %dma_start3A_139 = tpu.memref_slice %arg5[%run_scoped3A, %dma_start3A_138] : memref<4x400xi32, #tpu.memory_space<vmem>> -> memref<1x400xi32, #tpu.memory_space<vmem>>
      %dma_start3A_140 = tpu.memref_squeeze %dma_start3A_139 : memref<1x400xi32, #tpu.memory_space<vmem>> -> memref<400xi32, #tpu.memory_space<vmem>>
      %dma_start3A_141 = tpu.memref_slice %arg2[%multiple_of3A_5] : memref<819200xi32, #tpu.memory_space<hbm>> -> memref<400xi32, #tpu.memory_space<hbm>>
      tpu.enqueue_dma source(%dma_start3A_141 : memref<400xi32, #tpu.memory_space<hbm>>) target(%dma_start3A_140 : memref<400xi32, #tpu.memory_space<vmem>>) target_semaphore(%run_scoped3A_133 : memref<!tpu.dma_semaphore, #tpu.memory_space<semaphore_mem>>)
      %dma_wait3A_142 = arith.constant 0 : i32
      %dma_wait3A_143 = tpu.memref_slice %arg5[%run_scoped3A, %dma_wait3A_142] : memref<4x400xi32, #tpu.memory_space<vmem>> -> memref<1x400xi32, #tpu.memory_space<vmem>>
      %dma_wait3A_144 = tpu.memref_squeeze %dma_wait3A_143 : memref<1x400xi32, #tpu.memory_space<vmem>> -> memref<400xi32, #tpu.memory_space<vmem>>
      %dma_wait3A_145 = tpu.memref_slice %arg2[%multiple_of3A_5] : memref<819200xi32, #tpu.memory_space<hbm>> -> memref<400xi32, #tpu.memory_space<hbm>>
      %dma_wait3A_146 = arith.constant 0 : i32
      %dma_wait3A_147 = tpu.memref_slice %arg5[%run_scoped3A, %dma_wait3A_146] : memref<4x400xi32, #tpu.memory_space<vmem>> -> memref<1x400xi32, #tpu.memory_space<vmem>>
      %dma_wait3A_148 = tpu.memref_squeeze %dma_wait3A_147 : memref<1x400xi32, #tpu.memory_space<vmem>> -> memref<400xi32, #tpu.memory_space<vmem>>
      %dma_wait3A_149 = tpu.memref_slice %arg2[%multiple_of3A_5] : memref<819200xi32, #tpu.memory_space<hbm>> -> memref<400xi32, #tpu.memory_space<hbm>>
      tpu.wait_dma2 semaphore(%run_scoped3A_133 : memref<!tpu.dma_semaphore, #tpu.memory_space<semaphore_mem>>) src(%dma_wait3A_149 : memref<400xi32, #tpu.memory_space<hbm>>) dst(%dma_wait3A_148 : memref<400xi32, #tpu.memory_space<vmem>>)
      tpu.yield
    }) : () -> ()
    %dma_start3A = arith.constant 0 : i32
    %dma_start3A_6 = arith.constant 0 : i32
    %dma_start3A_7 = arith.constant 0 : i32
    %dma_start3A_8 = arith.constant 0 : i32
    %dma_start3A_9 = tpu.memref_slice %arg6[%dma_start3A_6, %dma_start3A_7, %dma_start3A_8] : memref<4x400x64xf32, #tpu.memory_space<vmem>> -> memref<1x400x64xf32, #tpu.memory_space<vmem>>
    %dma_start3A_10 = tpu.memref_squeeze %dma_start3A_9 : memref<1x400x64xf32, #tpu.memory_space<vmem>> -> memref<400x64xf32, #tpu.memory_space<vmem>>
    %dma_start3A_11 = arith.constant 0 : i32
    %dma_start3A_12 = tpu.memref_slice %arg5[%dma_start3A, %dma_start3A_11] : memref<4x400xi32, #tpu.memory_space<vmem>> -> memref<1x400xi32, #tpu.memory_space<vmem>>
    %dma_start3A_13 = tpu.memref_squeeze %dma_start3A_12 : memref<1x400xi32, #tpu.memory_space<vmem>> -> memref<400xi32, #tpu.memory_space<vmem>>
    %dma_start3A_14 = arith.constant 0 : i32
    %dma_start3A_15 = arith.constant 0 : i32
    %dma_start3A_16 = tpu.memref_slice %arg3[%dma_start3A_14, %dma_start3A_15] : memref<2000000x64xf32, #tpu.memory_space<hbm>> -> memref<2000000x64xf32, #tpu.memory_space<hbm>>
    tpu.enqueue_indirect_dma source(%dma_start3A_16 : memref<2000000x64xf32, #tpu.memory_space<hbm>>) target(%dma_start3A_10 : memref<400x64xf32, #tpu.memory_space<vmem>>) offsets(%dma_start3A_13 : memref<400xi32, #tpu.memory_space<vmem>>) semaphore(%arg7 : memref<!tpu.dma_semaphore, #tpu.memory_space<semaphore_mem>>)
    %add3A_17 = arith.constant 400 : i32
    %add3A_18 = arith.addi %multiple_of3A, %add3A_17 : i32
    %multiple_of3A_19 = tpu.assume_multiple %add3A_18, 8 : i32
    %run_scoped3A_20 = arith.constant 1 : i32
    "tpu.region"() ({
      %run_scoped3A_133 = tpu.sem_alloc : memref<!tpu.dma_semaphore, #tpu.memory_space<semaphore_mem>>
      %dma_start3A_134 = arith.constant 0 : i32
      %dma_start3A_135 = tpu.memref_slice %arg5[%run_scoped3A_20, %dma_start3A_134] : memref<4x400xi32, #tpu.memory_space<vmem>> -> memref<1x400xi32, #tpu.memory_space<vmem>>
      %dma_start3A_136 = tpu.memref_squeeze %dma_start3A_135 : memref<1x400xi32, #tpu.memory_space<vmem>> -> memref<400xi32, #tpu.memory_space<vmem>>
      %dma_start3A_137 = tpu.memref_slice %arg2[%multiple_of3A_19] : memref<819200xi32, #tpu.memory_space<hbm>> -> memref<400xi32, #tpu.memory_space<hbm>>
      %dma_start3A_138 = arith.constant 0 : i32
      %dma_start3A_139 = tpu.memref_slice %arg5[%run_scoped3A_20, %dma_start3A_138] : memref<4x400xi32, #tpu.memory_space<vmem>> -> memref<1x400xi32, #tpu.memory_space<vmem>>
      %dma_start3A_140 = tpu.memref_squeeze %dma_start3A_139 : memref<1x400xi32, #tpu.memory_space<vmem>> -> memref<400xi32, #tpu.memory_space<vmem>>
      %dma_start3A_141 = tpu.memref_slice %arg2[%multiple_of3A_19] : memref<819200xi32, #tpu.memory_space<hbm>> -> memref<400xi32, #tpu.memory_space<hbm>>
      tpu.enqueue_dma source(%dma_start3A_141 : memref<400xi32, #tpu.memory_space<hbm>>) target(%dma_start3A_140 : memref<400xi32, #tpu.memory_space<vmem>>) target_semaphore(%run_scoped3A_133 : memref<!tpu.dma_semaphore, #tpu.memory_space<semaphore_mem>>)
      %dma_wait3A_142 = arith.constant 0 : i32
      %dma_wait3A_143 = tpu.memref_slice %arg5[%run_scoped3A_20, %dma_wait3A_142] : memref<4x400xi32, #tpu.memory_space<vmem>> -> memref<1x400xi32, #tpu.memory_space<vmem>>
      %dma_wait3A_144 = tpu.memref_squeeze %dma_wait3A_143 : memref<1x400xi32, #tpu.memory_space<vmem>> -> memref<400xi32, #tpu.memory_space<vmem>>
      %dma_wait3A_145 = tpu.memref_slice %arg2[%multiple_of3A_19] : memref<819200xi32, #tpu.memory_space<hbm>> -> memref<400xi32, #tpu.memory_space<hbm>>
      %dma_wait3A_146 = arith.constant 0 : i32
      %dma_wait3A_147 = tpu.memref_slice %arg5[%run_scoped3A_20, %dma_wait3A_146] : memref<4x400xi32, #tpu.memory_space<vmem>> -> memref<1x400xi32, #tpu.memory_space<vmem>>
      %dma_wait3A_148 = tpu.memref_squeeze %dma_wait3A_147 : memref<1x400xi32, #tpu.memory_space<vmem>> -> memref<400xi32, #tpu.memory_space<vmem>>
      %dma_wait3A_149 = tpu.memref_slice %arg2[%multiple_of3A_19] : memref<819200xi32, #tpu.memory_space<hbm>> -> memref<400xi32, #tpu.memory_space<hbm>>
      tpu.wait_dma2 semaphore(%run_scoped3A_133 : memref<!tpu.dma_semaphore, #tpu.memory_space<semaphore_mem>>) src(%dma_wait3A_149 : memref<400xi32, #tpu.memory_space<hbm>>) dst(%dma_wait3A_148 : memref<400xi32, #tpu.memory_space<vmem>>)
      tpu.yield
    }) : () -> ()
    %dma_start3A_21 = arith.constant 1 : i32
    %dma_start3A_22 = arith.constant 1 : i32
    %dma_start3A_23 = arith.constant 0 : i32
    %dma_start3A_24 = arith.constant 0 : i32
    %dma_start3A_25 = tpu.memref_slice %arg6[%dma_start3A_22, %dma_start3A_23, %dma_start3A_24] : memref<4x400x64xf32, #tpu.memory_space<vmem>> -> memref<1x400x64xf32, #tpu.memory_space<vmem>>
    %dma_start3A_26 = tpu.memref_squeeze %dma_start3A_25 : memref<1x400x64xf32, #tpu.memory_space<vmem>> -> memref<400x64xf32, #tpu.memory_space<vmem>>
    %dma_start3A_27 = arith.constant 0 : i32
    %dma_start3A_28 = tpu.memref_slice %arg5[%dma_start3A_21, %dma_start3A_27] : memref<4x400xi32, #tpu.memory_space<vmem>> -> memref<1x400xi32, #tpu.memory_space<vmem>>
    %dma_start3A_29 = tpu.memref_squeeze %dma_start3A_28 : memref<1x400xi32, #tpu.memory_space<vmem>> -> memref<400xi32, #tpu.memory_space<vmem>>
    %dma_start3A_30 = arith.constant 0 : i32
    %dma_start3A_31 = arith.constant 0 : i32
    %dma_start3A_32 = tpu.memref_slice %arg3[%dma_start3A_30, %dma_start3A_31] : memref<2000000x64xf32, #tpu.memory_space<hbm>> -> memref<2000000x64xf32, #tpu.memory_space<hbm>>
    tpu.enqueue_indirect_dma source(%dma_start3A_32 : memref<2000000x64xf32, #tpu.memory_space<hbm>>) target(%dma_start3A_26 : memref<400x64xf32, #tpu.memory_space<vmem>>) offsets(%dma_start3A_29 : memref<400xi32, #tpu.memory_space<vmem>>) semaphore(%arg8 : memref<!tpu.dma_semaphore, #tpu.memory_space<semaphore_mem>>)
    %add3A_33 = arith.constant 800 : i32
    %add3A_34 = arith.addi %multiple_of3A, %add3A_33 : i32
    %multiple_of3A_35 = tpu.assume_multiple %add3A_34, 8 : i32
    %run_scoped3A_36 = arith.constant 2 : i32
    "tpu.region"() ({
      %run_scoped3A_133 = tpu.sem_alloc : memref<!tpu.dma_semaphore, #tpu.memory_space<semaphore_mem>>
      %dma_start3A_134 = arith.constant 0 : i32
      %dma_start3A_135 = tpu.memref_slice %arg5[%run_scoped3A_36, %dma_start3A_134] : memref<4x400xi32, #tpu.memory_space<vmem>> -> memref<1x400xi32, #tpu.memory_space<vmem>>
      %dma_start3A_136 = tpu.memref_squeeze %dma_start3A_135 : memref<1x400xi32, #tpu.memory_space<vmem>> -> memref<400xi32, #tpu.memory_space<vmem>>
      %dma_start3A_137 = tpu.memref_slice %arg2[%multiple_of3A_35] : memref<819200xi32, #tpu.memory_space<hbm>> -> memref<400xi32, #tpu.memory_space<hbm>>
      %dma_start3A_138 = arith.constant 0 : i32
      %dma_start3A_139 = tpu.memref_slice %arg5[%run_scoped3A_36, %dma_start3A_138] : memref<4x400xi32, #tpu.memory_space<vmem>> -> memref<1x400xi32, #tpu.memory_space<vmem>>
      %dma_start3A_140 = tpu.memref_squeeze %dma_start3A_139 : memref<1x400xi32, #tpu.memory_space<vmem>> -> memref<400xi32, #tpu.memory_space<vmem>>
      %dma_start3A_141 = tpu.memref_slice %arg2[%multiple_of3A_35] : memref<819200xi32, #tpu.memory_space<hbm>> -> memref<400xi32, #tpu.memory_space<hbm>>
      tpu.enqueue_dma source(%dma_start3A_141 : memref<400xi32, #tpu.memory_space<hbm>>) target(%dma_start3A_140 : memref<400xi32, #tpu.memory_space<vmem>>) target_semaphore(%run_scoped3A_133 : memref<!tpu.dma_semaphore, #tpu.memory_space<semaphore_mem>>)
      %dma_wait3A_142 = arith.constant 0 : i32
      %dma_wait3A_143 = tpu.memref_slice %arg5[%run_scoped3A_36, %dma_wait3A_142] : memref<4x400xi32, #tpu.memory_space<vmem>> -> memref<1x400xi32, #tpu.memory_space<vmem>>
      %dma_wait3A_144 = tpu.memref_squeeze %dma_wait3A_143 : memref<1x400xi32, #tpu.memory_space<vmem>> -> memref<400xi32, #tpu.memory_space<vmem>>
      %dma_wait3A_145 = tpu.memref_slice %arg2[%multiple_of3A_35] : memref<819200xi32, #tpu.memory_space<hbm>> -> memref<400xi32, #tpu.memory_space<hbm>>
      %dma_wait3A_146 = arith.constant 0 : i32
      %dma_wait3A_147 = tpu.memref_slice %arg5[%run_scoped3A_36, %dma_wait3A_146] : memref<4x400xi32, #tpu.memory_space<vmem>> -> memref<1x400xi32, #tpu.memory_space<vmem>>
      %dma_wait3A_148 = tpu.memref_squeeze %dma_wait3A_147 : memref<1x400xi32, #tpu.memory_space<vmem>> -> memref<400xi32, #tpu.memory_space<vmem>>
      %dma_wait3A_149 = tpu.memref_slice %arg2[%multiple_of3A_35] : memref<819200xi32, #tpu.memory_space<hbm>> -> memref<400xi32, #tpu.memory_space<hbm>>
      tpu.wait_dma2 semaphore(%run_scoped3A_133 : memref<!tpu.dma_semaphore, #tpu.memory_space<semaphore_mem>>) src(%dma_wait3A_149 : memref<400xi32, #tpu.memory_space<hbm>>) dst(%dma_wait3A_148 : memref<400xi32, #tpu.memory_space<vmem>>)
      tpu.yield
    }) : () -> ()
    %dma_start3A_37 = arith.constant 2 : i32
    %dma_start3A_38 = arith.constant 2 : i32
    %dma_start3A_39 = arith.constant 0 : i32
    %dma_start3A_40 = arith.constant 0 : i32
    %dma_start3A_41 = tpu.memref_slice %arg6[%dma_start3A_38, %dma_start3A_39, %dma_start3A_40] : memref<4x400x64xf32, #tpu.memory_space<vmem>> -> memref<1x400x64xf32, #tpu.memory_space<vmem>>
    %dma_start3A_42 = tpu.memref_squeeze %dma_start3A_41 : memref<1x400x64xf32, #tpu.memory_space<vmem>> -> memref<400x64xf32, #tpu.memory_space<vmem>>
    %dma_start3A_43 = arith.constant 0 : i32
    %dma_start3A_44 = tpu.memref_slice %arg5[%dma_start3A_37, %dma_start3A_43] : memref<4x400xi32, #tpu.memory_space<vmem>> -> memref<1x400xi32, #tpu.memory_space<vmem>>
    %dma_start3A_45 = tpu.memref_squeeze %dma_start3A_44 : memref<1x400xi32, #tpu.memory_space<vmem>> -> memref<400xi32, #tpu.memory_space<vmem>>
    %dma_start3A_46 = arith.constant 0 : i32
    %dma_start3A_47 = arith.constant 0 : i32
    %dma_start3A_48 = tpu.memref_slice %arg3[%dma_start3A_46, %dma_start3A_47] : memref<2000000x64xf32, #tpu.memory_space<hbm>> -> memref<2000000x64xf32, #tpu.memory_space<hbm>>
    tpu.enqueue_indirect_dma source(%dma_start3A_48 : memref<2000000x64xf32, #tpu.memory_space<hbm>>) target(%dma_start3A_42 : memref<400x64xf32, #tpu.memory_space<vmem>>) offsets(%dma_start3A_45 : memref<400xi32, #tpu.memory_space<vmem>>) semaphore(%arg9 : memref<!tpu.dma_semaphore, #tpu.memory_space<semaphore_mem>>)
    %add3A_49 = arith.constant 1200 : i32
    %add3A_50 = arith.addi %multiple_of3A, %add3A_49 : i32
    %multiple_of3A_51 = tpu.assume_multiple %add3A_50, 8 : i32
    %run_scoped3A_52 = arith.constant 3 : i32
    "tpu.region"() ({
      %run_scoped3A_133 = tpu.sem_alloc : memref<!tpu.dma_semaphore, #tpu.memory_space<semaphore_mem>>
      %dma_start3A_134 = arith.constant 0 : i32
      %dma_start3A_135 = tpu.memref_slice %arg5[%run_scoped3A_52, %dma_start3A_134] : memref<4x400xi32, #tpu.memory_space<vmem>> -> memref<1x400xi32, #tpu.memory_space<vmem>>
      %dma_start3A_136 = tpu.memref_squeeze %dma_start3A_135 : memref<1x400xi32, #tpu.memory_space<vmem>> -> memref<400xi32, #tpu.memory_space<vmem>>
      %dma_start3A_137 = tpu.memref_slice %arg2[%multiple_of3A_51] : memref<819200xi32, #tpu.memory_space<hbm>> -> memref<400xi32, #tpu.memory_space<hbm>>
      %dma_start3A_138 = arith.constant 0 : i32
      %dma_start3A_139 = tpu.memref_slice %arg5[%run_scoped3A_52, %dma_start3A_138] : memref<4x400xi32, #tpu.memory_space<vmem>> -> memref<1x400xi32, #tpu.memory_space<vmem>>
      %dma_start3A_140 = tpu.memref_squeeze %dma_start3A_139 : memref<1x400xi32, #tpu.memory_space<vmem>> -> memref<400xi32, #tpu.memory_space<vmem>>
      %dma_start3A_141 = tpu.memref_slice %arg2[%multiple_of3A_51] : memref<819200xi32, #tpu.memory_space<hbm>> -> memref<400xi32, #tpu.memory_space<hbm>>
      tpu.enqueue_dma source(%dma_start3A_141 : memref<400xi32, #tpu.memory_space<hbm>>) target(%dma_start3A_140 : memref<400xi32, #tpu.memory_space<vmem>>) target_semaphore(%run_scoped3A_133 : memref<!tpu.dma_semaphore, #tpu.memory_space<semaphore_mem>>)
      %dma_wait3A_142 = arith.constant 0 : i32
      %dma_wait3A_143 = tpu.memref_slice %arg5[%run_scoped3A_52, %dma_wait3A_142] : memref<4x400xi32, #tpu.memory_space<vmem>> -> memref<1x400xi32, #tpu.memory_space<vmem>>
      %dma_wait3A_144 = tpu.memref_squeeze %dma_wait3A_143 : memref<1x400xi32, #tpu.memory_space<vmem>> -> memref<400xi32, #tpu.memory_space<vmem>>
      %dma_wait3A_145 = tpu.memref_slice %arg2[%multiple_of3A_51] : memref<819200xi32, #tpu.memory_space<hbm>> -> memref<400xi32, #tpu.memory_space<hbm>>
      %dma_wait3A_146 = arith.constant 0 : i32
      %dma_wait3A_147 = tpu.memref_slice %arg5[%run_scoped3A_52, %dma_wait3A_146] : memref<4x400xi32, #tpu.memory_space<vmem>> -> memref<1x400xi32, #tpu.memory_space<vmem>>
      %dma_wait3A_148 = tpu.memref_squeeze %dma_wait3A_147 : memref<1x400xi32, #tpu.memory_space<vmem>> -> memref<400xi32, #tpu.memory_space<vmem>>
      %dma_wait3A_149 = tpu.memref_slice %arg2[%multiple_of3A_51] : memref<819200xi32, #tpu.memory_space<hbm>> -> memref<400xi32, #tpu.memory_space<hbm>>
      tpu.wait_dma2 semaphore(%run_scoped3A_133 : memref<!tpu.dma_semaphore, #tpu.memory_space<semaphore_mem>>) src(%dma_wait3A_149 : memref<400xi32, #tpu.memory_space<hbm>>) dst(%dma_wait3A_148 : memref<400xi32, #tpu.memory_space<vmem>>)
      tpu.yield
    }) : () -> ()
    %dma_start3A_53 = arith.constant 3 : i32
    %dma_start3A_54 = arith.constant 3 : i32
    %dma_start3A_55 = arith.constant 0 : i32
    %dma_start3A_56 = arith.constant 0 : i32
    %dma_start3A_57 = tpu.memref_slice %arg6[%dma_start3A_54, %dma_start3A_55, %dma_start3A_56] : memref<4x400x64xf32, #tpu.memory_space<vmem>> -> memref<1x400x64xf32, #tpu.memory_space<vmem>>
    %dma_start3A_58 = tpu.memref_squeeze %dma_start3A_57 : memref<1x400x64xf32, #tpu.memory_space<vmem>> -> memref<400x64xf32, #tpu.memory_space<vmem>>
    %dma_start3A_59 = arith.constant 0 : i32
    %dma_start3A_60 = tpu.memref_slice %arg5[%dma_start3A_53, %dma_start3A_59] : memref<4x400xi32, #tpu.memory_space<vmem>> -> memref<1x400xi32, #tpu.memory_space<vmem>>
    %dma_start3A_61 = tpu.memref_squeeze %dma_start3A_60 : memref<1x400xi32, #tpu.memory_space<vmem>> -> memref<400xi32, #tpu.memory_space<vmem>>
    %dma_start3A_62 = arith.constant 0 : i32
    %dma_start3A_63 = arith.constant 0 : i32
    %dma_start3A_64 = tpu.memref_slice %arg3[%dma_start3A_62, %dma_start3A_63] : memref<2000000x64xf32, #tpu.memory_space<hbm>> -> memref<2000000x64xf32, #tpu.memory_space<hbm>>
    tpu.enqueue_indirect_dma source(%dma_start3A_64 : memref<2000000x64xf32, #tpu.memory_space<hbm>>) target(%dma_start3A_58 : memref<400x64xf32, #tpu.memory_space<vmem>>) offsets(%dma_start3A_61 : memref<400xi32, #tpu.memory_space<vmem>>) semaphore(%arg10 : memref<!tpu.dma_semaphore, #tpu.memory_space<semaphore_mem>>)
    %scan3A = arith.constant 0 : i32
    %scan3A_65 = arith.constant 0 : i32
    %scan3A_66 = arith.constant 16 : i32
    %scan3A_67 = arith.addi %scan3A_65, %scan3A_66 : i32
    %scan3A_68 = arith.constant 1 : i32
    scf.for %scan3A_133 = %scan3A_65 to %scan3A_67 step %scan3A_68  : i32 {
      %mul3A_134 = arith.constant 4 : i32
      %mul3A_135 = arith.muli %scan3A_133, %mul3A_134 : i32
      %add3A_136 = arith.constant 0 : i32
      %add3A_137 = arith.addi %mul3A_135, %add3A_136 : i32
      %dma_wait3A_138 = arith.constant 0 : i32
      %dma_wait3A_139 = arith.constant 0 : i32
      %dma_wait3A_140 = arith.constant 0 : i32
      %dma_wait3A_141 = arith.constant 0 : i32
      %dma_wait3A_142 = tpu.memref_slice %arg6[%dma_wait3A_139, %dma_wait3A_140, %dma_wait3A_141] : memref<4x400x64xf32, #tpu.memory_space<vmem>> -> memref<1x400x64xf32, #tpu.memory_space<vmem>>
      %dma_wait3A_143 = tpu.memref_squeeze %dma_wait3A_142 : memref<1x400x64xf32, #tpu.memory_space<vmem>> -> memref<400x64xf32, #tpu.memory_space<vmem>>
      %dma_wait3A_144 = arith.constant 0 : i32
      %dma_wait3A_145 = tpu.memref_slice %arg5[%dma_wait3A_138, %dma_wait3A_144] : memref<4x400xi32, #tpu.memory_space<vmem>> -> memref<1x400xi32, #tpu.memory_space<vmem>>
      %dma_wait3A_146 = tpu.memref_squeeze %dma_wait3A_145 : memref<1x400xi32, #tpu.memory_space<vmem>> -> memref<400xi32, #tpu.memory_space<vmem>>
      %dma_wait3A_147 = arith.constant 0 : i32
      %dma_wait3A_148 = arith.constant 0 : i32
      %dma_wait3A_149 = tpu.memref_slice %arg3[%dma_wait3A_147, %dma_wait3A_148] : memref<2000000x64xf32, #tpu.memory_space<hbm>> -> memref<2000000x64xf32, #tpu.memory_space<hbm>>
      tpu.wait_indirect_dma semaphore(%arg7 : memref<!tpu.dma_semaphore, #tpu.memory_space<semaphore_mem>>) src(%dma_wait3A_149 : memref<2000000x64xf32, #tpu.memory_space<hbm>>) dst(%dma_wait3A_143 : memref<400x64xf32, #tpu.memory_space<vmem>>)
      %mul3A_150 = arith.constant 400 : i32
      %mul3A_151 = arith.muli %add3A_137, %mul3A_150 : i32
      %add3A_152 = arith.addi %multiple_of3A, %mul3A_151 : i32
      %multiple_of3A_153 = tpu.assume_multiple %add3A_152, 8 : i32
      %dma_start3A_154 = arith.constant 0 : i32
      %dma_start3A_155 = arith.constant 0 : i32
      %dma_start3A_156 = arith.constant 0 : i32
      %dma_start3A_157 = tpu.memref_slice %arg6[%dma_start3A_154, %dma_start3A_155, %dma_start3A_156] : memref<4x400x64xf32, #tpu.memory_space<vmem>> -> memref<1x400x64xf32, #tpu.memory_space<vmem>>
      %dma_start3A_158 = tpu.memref_squeeze %dma_start3A_157 : memref<1x400x64xf32, #tpu.memory_space<vmem>> -> memref<400x64xf32, #tpu.memory_space<vmem>>
      %dma_start3A_159 = arith.constant 0 : i32
      %dma_start3A_160 = tpu.memref_slice %arg4[%multiple_of3A_153, %dma_start3A_159] : memref<819200x64xf32, #tpu.memory_space<hbm>> -> memref<400x64xf32, #tpu.memory_space<hbm>>
      %dma_start3A_161 = arith.constant 0 : i32
      %dma_start3A_162 = tpu.memref_slice %arg4[%multiple_of3A_153, %dma_start3A_161] : memref<819200x64xf32, #tpu.memory_space<hbm>> -> memref<400x64xf32, #tpu.memory_space<hbm>>
      %dma_start3A_163 = arith.constant 0 : i32
      %dma_start3A_164 = arith.constant 0 : i32
      %dma_start3A_165 = tpu.memref_slice %arg6[%dma_start3A_154, %dma_start3A_163, %dma_start3A_164] : memref<4x400x64xf32, #tpu.memory_space<vmem>> -> memref<1x400x64xf32, #tpu.memory_space<vmem>>
      %dma_start3A_166 = tpu.memref_squeeze %dma_start3A_165 : memref<1x400x64xf32, #tpu.memory_space<vmem>> -> memref<400x64xf32, #tpu.memory_space<vmem>>
      tpu.enqueue_dma source(%dma_start3A_166 : memref<400x64xf32, #tpu.memory_space<vmem>>) target(%dma_start3A_162 : memref<400x64xf32, #tpu.memory_space<hbm>>) target_semaphore(%arg11 : memref<!tpu.dma_semaphore, #tpu.memory_space<semaphore_mem>>)
      %add3A_167 = arith.constant 4 : i32
      %add3A_168 = arith.addi %add3A_137, %add3A_167 : i32
      %lt3A = arith.constant 64 : i32
      %lt3A_169 = arith.cmpi slt, %add3A_168, %lt3A : i32
      %convert_element_type3A = arith.extui %lt3A_169 : i1 to i32
      %cond3A = arith.constant 0 : i32
      %cond3A_170 = arith.cmpi ne, %convert_element_type3A, %cond3A : i32
      scf.if %cond3A_170 {
        %mul3A_285 = arith.constant 400 : i32
        %mul3A_286 = arith.muli %add3A_137, %mul3A_285 : i32
        %add3A_287 = arith.addi %multiple_of3A, %mul3A_286 : i32
        %multiple_of3A_288 = tpu.assume_multiple %add3A_287, 8 : i32
        %dma_wait3A_289 = arith.constant 0 : i32
        %dma_wait3A_290 = arith.constant 0 : i32
        %dma_wait3A_291 = arith.constant 0 : i32
        %dma_wait3A_292 = tpu.memref_slice %arg6[%dma_wait3A_289, %dma_wait3A_290, %dma_wait3A_291] : memref<4x400x64xf32, #tpu.memory_space<vmem>> -> memref<1x400x64xf32, #tpu.memory_space<vmem>>
        %dma_wait3A_293 = tpu.memref_squeeze %dma_wait3A_292 : memref<1x400x64xf32, #tpu.memory_space<vmem>> -> memref<400x64xf32, #tpu.memory_space<vmem>>
        %dma_wait3A_294 = arith.constant 0 : i32
        %dma_wait3A_295 = tpu.memref_slice %arg4[%multiple_of3A_288, %dma_wait3A_294] : memref<819200x64xf32, #tpu.memory_space<hbm>> -> memref<400x64xf32, #tpu.memory_space<hbm>>
        %dma_wait3A_296 = arith.constant 0 : i32
        %dma_wait3A_297 = tpu.memref_slice %arg4[%multiple_of3A_288, %dma_wait3A_296] : memref<819200x64xf32, #tpu.memory_space<hbm>> -> memref<400x64xf32, #tpu.memory_space<hbm>>
        %dma_wait3A_298 = arith.constant 0 : i32
        %dma_wait3A_299 = arith.constant 0 : i32
        %dma_wait3A_300 = tpu.memref_slice %arg6[%dma_wait3A_289, %dma_wait3A_298, %dma_wait3A_299] : memref<4x400x64xf32, #tpu.memory_space<vmem>> -> memref<1x400x64xf32, #tpu.memory_space<vmem>>
        %dma_wait3A_301 = tpu.memref_squeeze %dma_wait3A_300 : memref<1x400x64xf32, #tpu.memory_space<vmem>> -> memref<400x64xf32, #tpu.memory_space<vmem>>
        tpu.wait_dma2 semaphore(%arg11 : memref<!tpu.dma_semaphore, #tpu.memory_space<semaphore_mem>>) src(%dma_wait3A_301 : memref<400x64xf32, #tpu.memory_space<vmem>>) dst(%dma_wait3A_297 : memref<400x64xf32, #tpu.memory_space<hbm>>)
        %mul3A_302 = arith.constant 400 : i32
        %mul3A_303 = arith.muli %add3A_168, %mul3A_302 : i32
        %add3A_304 = arith.addi %multiple_of3A, %mul3A_303 : i32
        %multiple_of3A_305 = tpu.assume_multiple %add3A_304, 8 : i32
        %run_scoped3A_306 = arith.constant 0 : i32
        "tpu.region"() ({
          %run_scoped3A_319 = tpu.sem_alloc : memref<!tpu.dma_semaphore, #tpu.memory_space<semaphore_mem>>
          %dma_start3A_320 = arith.constant 0 : i32
          %dma_start3A_321 = tpu.memref_slice %arg5[%run_scoped3A_306, %dma_start3A_320] : memref<4x400xi32, #tpu.memory_space<vmem>> -> memref<1x400xi32, #tpu.memory_space<vmem>>
          %dma_start3A_322 = tpu.memref_squeeze %dma_start3A_321 : memref<1x400xi32, #tpu.memory_space<vmem>> -> memref<400xi32, #tpu.memory_space<vmem>>
          %dma_start3A_323 = tpu.memref_slice %arg2[%multiple_of3A_305] : memref<819200xi32, #tpu.memory_space<hbm>> -> memref<400xi32, #tpu.memory_space<hbm>>
          %dma_start3A_324 = arith.constant 0 : i32
          %dma_start3A_325 = tpu.memref_slice %arg5[%run_scoped3A_306, %dma_start3A_324] : memref<4x400xi32, #tpu.memory_space<vmem>> -> memref<1x400xi32, #tpu.memory_space<vmem>>
          %dma_start3A_326 = tpu.memref_squeeze %dma_start3A_325 : memref<1x400xi32, #tpu.memory_space<vmem>> -> memref<400xi32, #tpu.memory_space<vmem>>
          %dma_start3A_327 = tpu.memref_slice %arg2[%multiple_of3A_305] : memref<819200xi32, #tpu.memory_space<hbm>> -> memref<400xi32, #tpu.memory_space<hbm>>
          tpu.enqueue_dma source(%dma_start3A_327 : memref<400xi32, #tpu.memory_space<hbm>>) target(%dma_start3A_326 : memref<400xi32, #tpu.memory_space<vmem>>) target_semaphore(%run_scoped3A_319 : memref<!tpu.dma_semaphore, #tpu.memory_space<semaphore_mem>>)
          %dma_wait3A_328 = arith.constant 0 : i32
          %dma_wait3A_329 = tpu.memref_slice %arg5[%run_scoped3A_306, %dma_wait3A_328] : memref<4x400xi32, #tpu.memory_space<vmem>> -> memref<1x400xi32, #tpu.memory_space<vmem>>
          %dma_wait3A_330 = tpu.memref_squeeze %dma_wait3A_329 : memref<1x400xi32, #tpu.memory_space<vmem>> -> memref<400xi32, #tpu.memory_space<vmem>>
          %dma_wait3A_331 = tpu.memref_slice %arg2[%multiple_of3A_305] : memref<819200xi32, #tpu.memory_space<hbm>> -> memref<400xi32, #tpu.memory_space<hbm>>
          %dma_wait3A_332 = arith.constant 0 : i32
          %dma_wait3A_333 = tpu.memref_slice %arg5[%run_scoped3A_306, %dma_wait3A_332] : memref<4x400xi32, #tpu.memory_space<vmem>> -> memref<1x400xi32, #tpu.memory_space<vmem>>
          %dma_wait3A_334 = tpu.memref_squeeze %dma_wait3A_333 : memref<1x400xi32, #tpu.memory_space<vmem>> -> memref<400xi32, #tpu.memory_space<vmem>>
          %dma_wait3A_335 = tpu.memref_slice %arg2[%multiple_of3A_305] : memref<819200xi32, #tpu.memory_space<hbm>> -> memref<400xi32, #tpu.memory_space<hbm>>
          tpu.wait_dma2 semaphore(%run_scoped3A_319 : memref<!tpu.dma_semaphore, #tpu.memory_space<semaphore_mem>>) src(%dma_wait3A_335 : memref<400xi32, #tpu.memory_space<hbm>>) dst(%dma_wait3A_334 : memref<400xi32, #tpu.memory_space<vmem>>)
          tpu.yield
        }) : () -> ()
        %dma_start3A_307 = arith.constant 0 : i32
        %dma_start3A_308 = arith.constant 0 : i32
        %dma_start3A_309 = arith.constant 0 : i32
        %dma_start3A_310 = arith.constant 0 : i32
        %dma_start3A_311 = tpu.memref_slice %arg6[%dma_start3A_308, %dma_start3A_309, %dma_start3A_310] : memref<4x400x64xf32, #tpu.memory_space<vmem>> -> memref<1x400x64xf32, #tpu.memory_space<vmem>>
        %dma_start3A_312 = tpu.memref_squeeze %dma_start3A_311 : memref<1x400x64xf32, #tpu.memory_space<vmem>> -> memref<400x64xf32, #tpu.memory_space<vmem>>
        %dma_start3A_313 = arith.constant 0 : i32
        %dma_start3A_314 = tpu.memref_slice %arg5[%dma_start3A_307, %dma_start3A_313] : memref<4x400xi32, #tpu.memory_space<vmem>> -> memref<1x400xi32, #tpu.memory_space<vmem>>
        %dma_start3A_315 = tpu.memref_squeeze %dma_start3A_314 : memref<1x400xi32, #tpu.memory_space<vmem>> -> memref<400xi32, #tpu.memory_space<vmem>>
        %dma_start3A_316 = arith.constant 0 : i32
        %dma_start3A_317 = arith.constant 0 : i32
        %dma_start3A_318 = tpu.memref_slice %arg3[%dma_start3A_316, %dma_start3A_317] : memref<2000000x64xf32, #tpu.memory_space<hbm>> -> memref<2000000x64xf32, #tpu.memory_space<hbm>>
        tpu.enqueue_indirect_dma source(%dma_start3A_318 : memref<2000000x64xf32, #tpu.memory_space<hbm>>) target(%dma_start3A_312 : memref<400x64xf32, #tpu.memory_space<vmem>>) offsets(%dma_start3A_315 : memref<400xi32, #tpu.memory_space<vmem>>) semaphore(%arg7 : memref<!tpu.dma_semaphore, #tpu.memory_space<semaphore_mem>>)
      } else {
      }
      %add3A_171 = arith.constant 1 : i32
      %add3A_172 = arith.addi %mul3A_135, %add3A_171 : i32
      %dma_wait3A_173 = arith.constant 1 : i32
      %dma_wait3A_174 = arith.constant 1 : i32
      %dma_wait3A_175 = arith.constant 0 : i32
      %dma_wait3A_176 = arith.constant 0 : i32
      %dma_wait3A_177 = tpu.memref_slice %arg6[%dma_wait3A_174, %dma_wait3A_175, %dma_wait3A_176] : memref<4x400x64xf32, #tpu.memory_space<vmem>> -> memref<1x400x64xf32, #tpu.memory_space<vmem>>
      %dma_wait3A_178 = tpu.memref_squeeze %dma_wait3A_177 : memref<1x400x64xf32, #tpu.memory_space<vmem>> -> memref<400x64xf32, #tpu.memory_space<vmem>>
      %dma_wait3A_179 = arith.constant 0 : i32
      %dma_wait3A_180 = tpu.memref_slice %arg5[%dma_wait3A_173, %dma_wait3A_179] : memref<4x400xi32, #tpu.memory_space<vmem>> -> memref<1x400xi32, #tpu.memory_space<vmem>>
      %dma_wait3A_181 = tpu.memref_squeeze %dma_wait3A_180 : memref<1x400xi32, #tpu.memory_space<vmem>> -> memref<400xi32, #tpu.memory_space<vmem>>
      %dma_wait3A_182 = arith.constant 0 : i32
      %dma_wait3A_183 = arith.constant 0 : i32
      %dma_wait3A_184 = tpu.memref_slice %arg3[%dma_wait3A_182, %dma_wait3A_183] : memref<2000000x64xf32, #tpu.memory_space<hbm>> -> memref<2000000x64xf32, #tpu.memory_space<hbm>>
      tpu.wait_indirect_dma semaphore(%arg8 : memref<!tpu.dma_semaphore, #tpu.memory_space<semaphore_mem>>) src(%dma_wait3A_184 : memref<2000000x64xf32, #tpu.memory_space<hbm>>) dst(%dma_wait3A_178 : memref<400x64xf32, #tpu.memory_space<vmem>>)
      %mul3A_185 = arith.constant 400 : i32
      %mul3A_186 = arith.muli %add3A_172, %mul3A_185 : i32
      %add3A_187 = arith.addi %multiple_of3A, %mul3A_186 : i32
      %multiple_of3A_188 = tpu.assume_multiple %add3A_187, 8 : i32
      %dma_start3A_189 = arith.constant 1 : i32
      %dma_start3A_190 = arith.constant 0 : i32
      %dma_start3A_191 = arith.constant 0 : i32
      %dma_start3A_192 = tpu.memref_slice %arg6[%dma_start3A_189, %dma_start3A_190, %dma_start3A_191] : memref<4x400x64xf32, #tpu.memory_space<vmem>> -> memref<1x400x64xf32, #tpu.memory_space<vmem>>
      %dma_start3A_193 = tpu.memref_squeeze %dma_start3A_192 : memref<1x400x64xf32, #tpu.memory_space<vmem>> -> memref<400x64xf32, #tpu.memory_space<vmem>>
      %dma_start3A_194 = arith.constant 0 : i32
      %dma_start3A_195 = tpu.memref_slice %arg4[%multiple_of3A_188, %dma_start3A_194] : memref<819200x64xf32, #tpu.memory_space<hbm>> -> memref<400x64xf32, #tpu.memory_space<hbm>>
      %dma_start3A_196 = arith.constant 0 : i32
      %dma_start3A_197 = tpu.memref_slice %arg4[%multiple_of3A_188, %dma_start3A_196] : memref<819200x64xf32, #tpu.memory_space<hbm>> -> memref<400x64xf32, #tpu.memory_space<hbm>>
      %dma_start3A_198 = arith.constant 0 : i32
      %dma_start3A_199 = arith.constant 0 : i32
      %dma_start3A_200 = tpu.memref_slice %arg6[%dma_start3A_189, %dma_start3A_198, %dma_start3A_199] : memref<4x400x64xf32, #tpu.memory_space<vmem>> -> memref<1x400x64xf32, #tpu.memory_space<vmem>>
      %dma_start3A_201 = tpu.memref_squeeze %dma_start3A_200 : memref<1x400x64xf32, #tpu.memory_space<vmem>> -> memref<400x64xf32, #tpu.memory_space<vmem>>
      tpu.enqueue_dma source(%dma_start3A_201 : memref<400x64xf32, #tpu.memory_space<vmem>>) target(%dma_start3A_197 : memref<400x64xf32, #tpu.memory_space<hbm>>) target_semaphore(%arg12 : memref<!tpu.dma_semaphore, #tpu.memory_space<semaphore_mem>>)
      %add3A_202 = arith.constant 4 : i32
      %add3A_203 = arith.addi %add3A_172, %add3A_202 : i32
      %lt3A_204 = arith.constant 64 : i32
      %lt3A_205 = arith.cmpi slt, %add3A_203, %lt3A_204 : i32
      %convert_element_type3A_206 = arith.extui %lt3A_205 : i1 to i32
      %cond3A_207 = arith.constant 0 : i32
      %cond3A_208 = arith.cmpi ne, %convert_element_type3A_206, %cond3A_207 : i32
      scf.if %cond3A_208 {
        %mul3A_285 = arith.constant 400 : i32
        %mul3A_286 = arith.muli %add3A_172, %mul3A_285 : i32
        %add3A_287 = arith.addi %multiple_of3A, %mul3A_286 : i32
        %multiple_of3A_288 = tpu.assume_multiple %add3A_287, 8 : i32
        %dma_wait3A_289 = arith.constant 1 : i32
        %dma_wait3A_290 = arith.constant 0 : i32
        %dma_wait3A_291 = arith.constant 0 : i32
        %dma_wait3A_292 = tpu.memref_slice %arg6[%dma_wait3A_289, %dma_wait3A_290, %dma_wait3A_291] : memref<4x400x64xf32, #tpu.memory_space<vmem>> -> memref<1x400x64xf32, #tpu.memory_space<vmem>>
        %dma_wait3A_293 = tpu.memref_squeeze %dma_wait3A_292 : memref<1x400x64xf32, #tpu.memory_space<vmem>> -> memref<400x64xf32, #tpu.memory_space<vmem>>
        %dma_wait3A_294 = arith.constant 0 : i32
        %dma_wait3A_295 = tpu.memref_slice %arg4[%multiple_of3A_288, %dma_wait3A_294] : memref<819200x64xf32, #tpu.memory_space<hbm>> -> memref<400x64xf32, #tpu.memory_space<hbm>>
        %dma_wait3A_296 = arith.constant 0 : i32
        %dma_wait3A_297 = tpu.memref_slice %arg4[%multiple_of3A_288, %dma_wait3A_296] : memref<819200x64xf32, #tpu.memory_space<hbm>> -> memref<400x64xf32, #tpu.memory_space<hbm>>
        %dma_wait3A_298 = arith.constant 0 : i32
        %dma_wait3A_299 = arith.constant 0 : i32
        %dma_wait3A_300 = tpu.memref_slice %arg6[%dma_wait3A_289, %dma_wait3A_298, %dma_wait3A_299] : memref<4x400x64xf32, #tpu.memory_space<vmem>> -> memref<1x400x64xf32, #tpu.memory_space<vmem>>
        %dma_wait3A_301 = tpu.memref_squeeze %dma_wait3A_300 : memref<1x400x64xf32, #tpu.memory_space<vmem>> -> memref<400x64xf32, #tpu.memory_space<vmem>>
        tpu.wait_dma2 semaphore(%arg12 : memref<!tpu.dma_semaphore, #tpu.memory_space<semaphore_mem>>) src(%dma_wait3A_301 : memref<400x64xf32, #tpu.memory_space<vmem>>) dst(%dma_wait3A_297 : memref<400x64xf32, #tpu.memory_space<hbm>>)
        %mul3A_302 = arith.constant 400 : i32
        %mul3A_303 = arith.muli %add3A_203, %mul3A_302 : i32
        %add3A_304 = arith.addi %multiple_of3A, %mul3A_303 : i32
        %multiple_of3A_305 = tpu.assume_multiple %add3A_304, 8 : i32
        %run_scoped3A_306 = arith.constant 1 : i32
        "tpu.region"() ({
          %run_scoped3A_319 = tpu.sem_alloc : memref<!tpu.dma_semaphore, #tpu.memory_space<semaphore_mem>>
          %dma_start3A_320 = arith.constant 0 : i32
          %dma_start3A_321 = tpu.memref_slice %arg5[%run_scoped3A_306, %dma_start3A_320] : memref<4x400xi32, #tpu.memory_space<vmem>> -> memref<1x400xi32, #tpu.memory_space<vmem>>
          %dma_start3A_322 = tpu.memref_squeeze %dma_start3A_321 : memref<1x400xi32, #tpu.memory_space<vmem>> -> memref<400xi32, #tpu.memory_space<vmem>>
          %dma_start3A_323 = tpu.memref_slice %arg2[%multiple_of3A_305] : memref<819200xi32, #tpu.memory_space<hbm>> -> memref<400xi32, #tpu.memory_space<hbm>>
          %dma_start3A_324 = arith.constant 0 : i32
          %dma_start3A_325 = tpu.memref_slice %arg5[%run_scoped3A_306, %dma_start3A_324] : memref<4x400xi32, #tpu.memory_space<vmem>> -> memref<1x400xi32, #tpu.memory_space<vmem>>
          %dma_start3A_326 = tpu.memref_squeeze %dma_start3A_325 : memref<1x400xi32, #tpu.memory_space<vmem>> -> memref<400xi32, #tpu.memory_space<vmem>>
          %dma_start3A_327 = tpu.memref_slice %arg2[%multiple_of3A_305] : memref<819200xi32, #tpu.memory_space<hbm>> -> memref<400xi32, #tpu.memory_space<hbm>>
          tpu.enqueue_dma source(%dma_start3A_327 : memref<400xi32, #tpu.memory_space<hbm>>) target(%dma_start3A_326 : memref<400xi32, #tpu.memory_space<vmem>>) target_semaphore(%run_scoped3A_319 : memref<!tpu.dma_semaphore, #tpu.memory_space<semaphore_mem>>)
          %dma_wait3A_328 = arith.constant 0 : i32
          %dma_wait3A_329 = tpu.memref_slice %arg5[%run_scoped3A_306, %dma_wait3A_328] : memref<4x400xi32, #tpu.memory_space<vmem>> -> memref<1x400xi32, #tpu.memory_space<vmem>>
          %dma_wait3A_330 = tpu.memref_squeeze %dma_wait3A_329 : memref<1x400xi32, #tpu.memory_space<vmem>> -> memref<400xi32, #tpu.memory_space<vmem>>
          %dma_wait3A_331 = tpu.memref_slice %arg2[%multiple_of3A_305] : memref<819200xi32, #tpu.memory_space<hbm>> -> memref<400xi32, #tpu.memory_space<hbm>>
          %dma_wait3A_332 = arith.constant 0 : i32
          %dma_wait3A_333 = tpu.memref_slice %arg5[%run_scoped3A_306, %dma_wait3A_332] : memref<4x400xi32, #tpu.memory_space<vmem>> -> memref<1x400xi32, #tpu.memory_space<vmem>>
          %dma_wait3A_334 = tpu.memref_squeeze %dma_wait3A_333 : memref<1x400xi32, #tpu.memory_space<vmem>> -> memref<400xi32, #tpu.memory_space<vmem>>
          %dma_wait3A_335 = tpu.memref_slice %arg2[%multiple_of3A_305] : memref<819200xi32, #tpu.memory_space<hbm>> -> memref<400xi32, #tpu.memory_space<hbm>>
          tpu.wait_dma2 semaphore(%run_scoped3A_319 : memref<!tpu.dma_semaphore, #tpu.memory_space<semaphore_mem>>) src(%dma_wait3A_335 : memref<400xi32, #tpu.memory_space<hbm>>) dst(%dma_wait3A_334 : memref<400xi32, #tpu.memory_space<vmem>>)
          tpu.yield
        }) : () -> ()
        %dma_start3A_307 = arith.constant 1 : i32
        %dma_start3A_308 = arith.constant 1 : i32
        %dma_start3A_309 = arith.constant 0 : i32
        %dma_start3A_310 = arith.constant 0 : i32
        %dma_start3A_311 = tpu.memref_slice %arg6[%dma_start3A_308, %dma_start3A_309, %dma_start3A_310] : memref<4x400x64xf32, #tpu.memory_space<vmem>> -> memref<1x400x64xf32, #tpu.memory_space<vmem>>
        %dma_start3A_312 = tpu.memref_squeeze %dma_start3A_311 : memref<1x400x64xf32, #tpu.memory_space<vmem>> -> memref<400x64xf32, #tpu.memory_space<vmem>>
        %dma_start3A_313 = arith.constant 0 : i32
        %dma_start3A_314 = tpu.memref_slice %arg5[%dma_start3A_307, %dma_start3A_313] : memref<4x400xi32, #tpu.memory_space<vmem>> -> memref<1x400xi32, #tpu.memory_space<vmem>>
        %dma_start3A_315 = tpu.memref_squeeze %dma_start3A_314 : memref<1x400xi32, #tpu.memory_space<vmem>> -> memref<400xi32, #tpu.memory_space<vmem>>
        %dma_start3A_316 = arith.constant 0 : i32
        %dma_start3A_317 = arith.constant 0 : i32
        %dma_start3A_318 = tpu.memref_slice %arg3[%dma_start3A_316, %dma_start3A_317] : memref<2000000x64xf32, #tpu.memory_space<hbm>> -> memref<2000000x64xf32, #tpu.memory_space<hbm>>
        tpu.enqueue_indirect_dma source(%dma_start3A_318 : memref<2000000x64xf32, #tpu.memory_space<hbm>>) target(%dma_start3A_312 : memref<400x64xf32, #tpu.memory_space<vmem>>) offsets(%dma_start3A_315 : memref<400xi32, #tpu.memory_space<vmem>>) semaphore(%arg8 : memref<!tpu.dma_semaphore, #tpu.memory_space<semaphore_mem>>)
      } else {
      }
      %add3A_209 = arith.constant 2 : i32
      %add3A_210 = arith.addi %mul3A_135, %add3A_209 : i32
      %dma_wait3A_211 = arith.constant 2 : i32
      %dma_wait3A_212 = arith.constant 2 : i32
      %dma_wait3A_213 = arith.constant 0 : i32
      %dma_wait3A_214 = arith.constant 0 : i32
      %dma_wait3A_215 = tpu.memref_slice %arg6[%dma_wait3A_212, %dma_wait3A_213, %dma_wait3A_214] : memref<4x400x64xf32, #tpu.memory_space<vmem>> -> memref<1x400x64xf32, #tpu.memory_space<vmem>>
      %dma_wait3A_216 = tpu.memref_squeeze %dma_wait3A_215 : memref<1x400x64xf32, #tpu.memory_space<vmem>> -> memref<400x64xf32, #tpu.memory_space<vmem>>
      %dma_wait3A_217 = arith.constant 0 : i32
      %dma_wait3A_218 = tpu.memref_slice %arg5[%dma_wait3A_211, %dma_wait3A_217] : memref<4x400xi32, #tpu.memory_space<vmem>> -> memref<1x400xi32, #tpu.memory_space<vmem>>
      %dma_wait3A_219 = tpu.memref_squeeze %dma_wait3A_218 : memref<1x400xi32, #tpu.memory_space<vmem>> -> memref<400xi32, #tpu.memory_space<vmem>>
      %dma_wait3A_220 = arith.constant 0 : i32
      %dma_wait3A_221 = arith.constant 0 : i32
      %dma_wait3A_222 = tpu.memref_slice %arg3[%dma_wait3A_220, %dma_wait3A_221] : memref<2000000x64xf32, #tpu.memory_space<hbm>> -> memref<2000000x64xf32, #tpu.memory_space<hbm>>
      tpu.wait_indirect_dma semaphore(%arg9 : memref<!tpu.dma_semaphore, #tpu.memory_space<semaphore_mem>>) src(%dma_wait3A_222 : memref<2000000x64xf32, #tpu.memory_space<hbm>>) dst(%dma_wait3A_216 : memref<400x64xf32, #tpu.memory_space<vmem>>)
      %mul3A_223 = arith.constant 400 : i32
      %mul3A_224 = arith.muli %add3A_210, %mul3A_223 : i32
      %add3A_225 = arith.addi %multiple_of3A, %mul3A_224 : i32
      %multiple_of3A_226 = tpu.assume_multiple %add3A_225, 8 : i32
      %dma_start3A_227 = arith.constant 2 : i32
      %dma_start3A_228 = arith.constant 0 : i32
      %dma_start3A_229 = arith.constant 0 : i32
      %dma_start3A_230 = tpu.memref_slice %arg6[%dma_start3A_227, %dma_start3A_228, %dma_start3A_229] : memref<4x400x64xf32, #tpu.memory_space<vmem>> -> memref<1x400x64xf32, #tpu.memory_space<vmem>>
      %dma_start3A_231 = tpu.memref_squeeze %dma_start3A_230 : memref<1x400x64xf32, #tpu.memory_space<vmem>> -> memref<400x64xf32, #tpu.memory_space<vmem>>
      %dma_start3A_232 = arith.constant 0 : i32
      %dma_start3A_233 = tpu.memref_slice %arg4[%multiple_of3A_226, %dma_start3A_232] : memref<819200x64xf32, #tpu.memory_space<hbm>> -> memref<400x64xf32, #tpu.memory_space<hbm>>
      %dma_start3A_234 = arith.constant 0 : i32
      %dma_start3A_235 = tpu.memref_slice %arg4[%multiple_of3A_226, %dma_start3A_234] : memref<819200x64xf32, #tpu.memory_space<hbm>> -> memref<400x64xf32, #tpu.memory_space<hbm>>
      %dma_start3A_236 = arith.constant 0 : i32
      %dma_start3A_237 = arith.constant 0 : i32
      %dma_start3A_238 = tpu.memref_slice %arg6[%dma_start3A_227, %dma_start3A_236, %dma_start3A_237] : memref<4x400x64xf32, #tpu.memory_space<vmem>> -> memref<1x400x64xf32, #tpu.memory_space<vmem>>
      %dma_start3A_239 = tpu.memref_squeeze %dma_start3A_238 : memref<1x400x64xf32, #tpu.memory_space<vmem>> -> memref<400x64xf32, #tpu.memory_space<vmem>>
      tpu.enqueue_dma source(%dma_start3A_239 : memref<400x64xf32, #tpu.memory_space<vmem>>) target(%dma_start3A_235 : memref<400x64xf32, #tpu.memory_space<hbm>>) target_semaphore(%arg13 : memref<!tpu.dma_semaphore, #tpu.memory_space<semaphore_mem>>)
      %add3A_240 = arith.constant 4 : i32
      %add3A_241 = arith.addi %add3A_210, %add3A_240 : i32
      %lt3A_242 = arith.constant 64 : i32
      %lt3A_243 = arith.cmpi slt, %add3A_241, %lt3A_242 : i32
      %convert_element_type3A_244 = arith.extui %lt3A_243 : i1 to i32
      %cond3A_245 = arith.constant 0 : i32
      %cond3A_246 = arith.cmpi ne, %convert_element_type3A_244, %cond3A_245 : i32
      scf.if %cond3A_246 {
        %mul3A_285 = arith.constant 400 : i32
        %mul3A_286 = arith.muli %add3A_210, %mul3A_285 : i32
        %add3A_287 = arith.addi %multiple_of3A, %mul3A_286 : i32
        %multiple_of3A_288 = tpu.assume_multiple %add3A_287, 8 : i32
        %dma_wait3A_289 = arith.constant 2 : i32
        %dma_wait3A_290 = arith.constant 0 : i32
        %dma_wait3A_291 = arith.constant 0 : i32
        %dma_wait3A_292 = tpu.memref_slice %arg6[%dma_wait3A_289, %dma_wait3A_290, %dma_wait3A_291] : memref<4x400x64xf32, #tpu.memory_space<vmem>> -> memref<1x400x64xf32, #tpu.memory_space<vmem>>
        %dma_wait3A_293 = tpu.memref_squeeze %dma_wait3A_292 : memref<1x400x64xf32, #tpu.memory_space<vmem>> -> memref<400x64xf32, #tpu.memory_space<vmem>>
        %dma_wait3A_294 = arith.constant 0 : i32
        %dma_wait3A_295 = tpu.memref_slice %arg4[%multiple_of3A_288, %dma_wait3A_294] : memref<819200x64xf32, #tpu.memory_space<hbm>> -> memref<400x64xf32, #tpu.memory_space<hbm>>
        %dma_wait3A_296 = arith.constant 0 : i32
        %dma_wait3A_297 = tpu.memref_slice %arg4[%multiple_of3A_288, %dma_wait3A_296] : memref<819200x64xf32, #tpu.memory_space<hbm>> -> memref<400x64xf32, #tpu.memory_space<hbm>>
        %dma_wait3A_298 = arith.constant 0 : i32
        %dma_wait3A_299 = arith.constant 0 : i32
        %dma_wait3A_300 = tpu.memref_slice %arg6[%dma_wait3A_289, %dma_wait3A_298, %dma_wait3A_299] : memref<4x400x64xf32, #tpu.memory_space<vmem>> -> memref<1x400x64xf32, #tpu.memory_space<vmem>>
        %dma_wait3A_301 = tpu.memref_squeeze %dma_wait3A_300 : memref<1x400x64xf32, #tpu.memory_space<vmem>> -> memref<400x64xf32, #tpu.memory_space<vmem>>
        tpu.wait_dma2 semaphore(%arg13 : memref<!tpu.dma_semaphore, #tpu.memory_space<semaphore_mem>>) src(%dma_wait3A_301 : memref<400x64xf32, #tpu.memory_space<vmem>>) dst(%dma_wait3A_297 : memref<400x64xf32, #tpu.memory_space<hbm>>)
        %mul3A_302 = arith.constant 400 : i32
        %mul3A_303 = arith.muli %add3A_241, %mul3A_302 : i32
        %add3A_304 = arith.addi %multiple_of3A, %mul3A_303 : i32
        %multiple_of3A_305 = tpu.assume_multiple %add3A_304, 8 : i32
        %run_scoped3A_306 = arith.constant 2 : i32
        "tpu.region"() ({
          %run_scoped3A_319 = tpu.sem_alloc : memref<!tpu.dma_semaphore, #tpu.memory_space<semaphore_mem>>
          %dma_start3A_320 = arith.constant 0 : i32
          %dma_start3A_321 = tpu.memref_slice %arg5[%run_scoped3A_306, %dma_start3A_320] : memref<4x400xi32, #tpu.memory_space<vmem>> -> memref<1x400xi32, #tpu.memory_space<vmem>>
          %dma_start3A_322 = tpu.memref_squeeze %dma_start3A_321 : memref<1x400xi32, #tpu.memory_space<vmem>> -> memref<400xi32, #tpu.memory_space<vmem>>
          %dma_start3A_323 = tpu.memref_slice %arg2[%multiple_of3A_305] : memref<819200xi32, #tpu.memory_space<hbm>> -> memref<400xi32, #tpu.memory_space<hbm>>
          %dma_start3A_324 = arith.constant 0 : i32
          %dma_start3A_325 = tpu.memref_slice %arg5[%run_scoped3A_306, %dma_start3A_324] : memref<4x400xi32, #tpu.memory_space<vmem>> -> memref<1x400xi32, #tpu.memory_space<vmem>>
          %dma_start3A_326 = tpu.memref_squeeze %dma_start3A_325 : memref<1x400xi32, #tpu.memory_space<vmem>> -> memref<400xi32, #tpu.memory_space<vmem>>
          %dma_start3A_327 = tpu.memref_slice %arg2[%multiple_of3A_305] : memref<819200xi32, #tpu.memory_space<hbm>> -> memref<400xi32, #tpu.memory_space<hbm>>
          tpu.enqueue_dma source(%dma_start3A_327 : memref<400xi32, #tpu.memory_space<hbm>>) target(%dma_start3A_326 : memref<400xi32, #tpu.memory_space<vmem>>) target_semaphore(%run_scoped3A_319 : memref<!tpu.dma_semaphore, #tpu.memory_space<semaphore_mem>>)
          %dma_wait3A_328 = arith.constant 0 : i32
          %dma_wait3A_329 = tpu.memref_slice %arg5[%run_scoped3A_306, %dma_wait3A_328] : memref<4x400xi32, #tpu.memory_space<vmem>> -> memref<1x400xi32, #tpu.memory_space<vmem>>
          %dma_wait3A_330 = tpu.memref_squeeze %dma_wait3A_329 : memref<1x400xi32, #tpu.memory_space<vmem>> -> memref<400xi32, #tpu.memory_space<vmem>>
          %dma_wait3A_331 = tpu.memref_slice %arg2[%multiple_of3A_305] : memref<819200xi32, #tpu.memory_space<hbm>> -> memref<400xi32, #tpu.memory_space<hbm>>
          %dma_wait3A_332 = arith.constant 0 : i32
          %dma_wait3A_333 = tpu.memref_slice %arg5[%run_scoped3A_306, %dma_wait3A_332] : memref<4x400xi32, #tpu.memory_space<vmem>> -> memref<1x400xi32, #tpu.memory_space<vmem>>
          %dma_wait3A_334 = tpu.memref_squeeze %dma_wait3A_333 : memref<1x400xi32, #tpu.memory_space<vmem>> -> memref<400xi32, #tpu.memory_space<vmem>>
          %dma_wait3A_335 = tpu.memref_slice %arg2[%multiple_of3A_305] : memref<819200xi32, #tpu.memory_space<hbm>> -> memref<400xi32, #tpu.memory_space<hbm>>
          tpu.wait_dma2 semaphore(%run_scoped3A_319 : memref<!tpu.dma_semaphore, #tpu.memory_space<semaphore_mem>>) src(%dma_wait3A_335 : memref<400xi32, #tpu.memory_space<hbm>>) dst(%dma_wait3A_334 : memref<400xi32, #tpu.memory_space<vmem>>)
          tpu.yield
        }) : () -> ()
        %dma_start3A_307 = arith.constant 2 : i32
        %dma_start3A_308 = arith.constant 2 : i32
        %dma_start3A_309 = arith.constant 0 : i32
        %dma_start3A_310 = arith.constant 0 : i32
        %dma_start3A_311 = tpu.memref_slice %arg6[%dma_start3A_308, %dma_start3A_309, %dma_start3A_310] : memref<4x400x64xf32, #tpu.memory_space<vmem>> -> memref<1x400x64xf32, #tpu.memory_space<vmem>>
        %dma_start3A_312 = tpu.memref_squeeze %dma_start3A_311 : memref<1x400x64xf32, #tpu.memory_space<vmem>> -> memref<400x64xf32, #tpu.memory_space<vmem>>
        %dma_start3A_313 = arith.constant 0 : i32
        %dma_start3A_314 = tpu.memref_slice %arg5[%dma_start3A_307, %dma_start3A_313] : memref<4x400xi32, #tpu.memory_space<vmem>> -> memref<1x400xi32, #tpu.memory_space<vmem>>
        %dma_start3A_315 = tpu.memref_squeeze %dma_start3A_314 : memref<1x400xi32, #tpu.memory_space<vmem>> -> memref<400xi32, #tpu.memory_space<vmem>>
        %dma_start3A_316 = arith.constant 0 : i32
        %dma_start3A_317 = arith.constant 0 : i32
        %dma_start3A_318 = tpu.memref_slice %arg3[%dma_start3A_316, %dma_start3A_317] : memref<2000000x64xf32, #tpu.memory_space<hbm>> -> memref<2000000x64xf32, #tpu.memory_space<hbm>>
        tpu.enqueue_indirect_dma source(%dma_start3A_318 : memref<2000000x64xf32, #tpu.memory_space<hbm>>) target(%dma_start3A_312 : memref<400x64xf32, #tpu.memory_space<vmem>>) offsets(%dma_start3A_315 : memref<400xi32, #tpu.memory_space<vmem>>) semaphore(%arg9 : memref<!tpu.dma_semaphore, #tpu.memory_space<semaphore_mem>>)
      } else {
      }
      %add3A_247 = arith.constant 3 : i32
      %add3A_248 = arith.addi %mul3A_135, %add3A_247 : i32
      %dma_wait3A_249 = arith.constant 3 : i32
      %dma_wait3A_250 = arith.constant 3 : i32
      %dma_wait3A_251 = arith.constant 0 : i32
      %dma_wait3A_252 = arith.constant 0 : i32
      %dma_wait3A_253 = tpu.memref_slice %arg6[%dma_wait3A_250, %dma_wait3A_251, %dma_wait3A_252] : memref<4x400x64xf32, #tpu.memory_space<vmem>> -> memref<1x400x64xf32, #tpu.memory_space<vmem>>
      %dma_wait3A_254 = tpu.memref_squeeze %dma_wait3A_253 : memref<1x400x64xf32, #tpu.memory_space<vmem>> -> memref<400x64xf32, #tpu.memory_space<vmem>>
      %dma_wait3A_255 = arith.constant 0 : i32
      %dma_wait3A_256 = tpu.memref_slice %arg5[%dma_wait3A_249, %dma_wait3A_255] : memref<4x400xi32, #tpu.memory_space<vmem>> -> memref<1x400xi32, #tpu.memory_space<vmem>>
      %dma_wait3A_257 = tpu.memref_squeeze %dma_wait3A_256 : memref<1x400xi32, #tpu.memory_space<vmem>> -> memref<400xi32, #tpu.memory_space<vmem>>
      %dma_wait3A_258 = arith.constant 0 : i32
      %dma_wait3A_259 = arith.constant 0 : i32
      %dma_wait3A_260 = tpu.memref_slice %arg3[%dma_wait3A_258, %dma_wait3A_259] : memref<2000000x64xf32, #tpu.memory_space<hbm>> -> memref<2000000x64xf32, #tpu.memory_space<hbm>>
      tpu.wait_indirect_dma semaphore(%arg10 : memref<!tpu.dma_semaphore, #tpu.memory_space<semaphore_mem>>) src(%dma_wait3A_260 : memref<2000000x64xf32, #tpu.memory_space<hbm>>) dst(%dma_wait3A_254 : memref<400x64xf32, #tpu.memory_space<vmem>>)
      %mul3A_261 = arith.constant 400 : i32
      %mul3A_262 = arith.muli %add3A_248, %mul3A_261 : i32
      %add3A_263 = arith.addi %multiple_of3A, %mul3A_262 : i32
      %multiple_of3A_264 = tpu.assume_multiple %add3A_263, 8 : i32
      %dma_start3A_265 = arith.constant 3 : i32
      %dma_start3A_266 = arith.constant 0 : i32
      %dma_start3A_267 = arith.constant 0 : i32
      %dma_start3A_268 = tpu.memref_slice %arg6[%dma_start3A_265, %dma_start3A_266, %dma_start3A_267] : memref<4x400x64xf32, #tpu.memory_space<vmem>> -> memref<1x400x64xf32, #tpu.memory_space<vmem>>
      %dma_start3A_269 = tpu.memref_squeeze %dma_start3A_268 : memref<1x400x64xf32, #tpu.memory_space<vmem>> -> memref<400x64xf32, #tpu.memory_space<vmem>>
      %dma_start3A_270 = arith.constant 0 : i32
      %dma_start3A_271 = tpu.memref_slice %arg4[%multiple_of3A_264, %dma_start3A_270] : memref<819200x64xf32, #tpu.memory_space<hbm>> -> memref<400x64xf32, #tpu.memory_space<hbm>>
      %dma_start3A_272 = arith.constant 0 : i32
      %dma_start3A_273 = tpu.memref_slice %arg4[%multiple_of3A_264, %dma_start3A_272] : memref<819200x64xf32, #tpu.memory_space<hbm>> -> memref<400x64xf32, #tpu.memory_space<hbm>>
      %dma_start3A_274 = arith.constant 0 : i32
      %dma_start3A_275 = arith.constant 0 : i32
      %dma_start3A_276 = tpu.memref_slice %arg6[%dma_start3A_265, %dma_start3A_274, %dma_start3A_275] : memref<4x400x64xf32, #tpu.memory_space<vmem>> -> memref<1x400x64xf32, #tpu.memory_space<vmem>>
      %dma_start3A_277 = tpu.memref_squeeze %dma_start3A_276 : memref<1x400x64xf32, #tpu.memory_space<vmem>> -> memref<400x64xf32, #tpu.memory_space<vmem>>
      tpu.enqueue_dma source(%dma_start3A_277 : memref<400x64xf32, #tpu.memory_space<vmem>>) target(%dma_start3A_273 : memref<400x64xf32, #tpu.memory_space<hbm>>) target_semaphore(%arg14 : memref<!tpu.dma_semaphore, #tpu.memory_space<semaphore_mem>>)
      %add3A_278 = arith.constant 4 : i32
      %add3A_279 = arith.addi %add3A_248, %add3A_278 : i32
      %lt3A_280 = arith.constant 64 : i32
      %lt3A_281 = arith.cmpi slt, %add3A_279, %lt3A_280 : i32
      %convert_element_type3A_282 = arith.extui %lt3A_281 : i1 to i32
      %cond3A_283 = arith.constant 0 : i32
      %cond3A_284 = arith.cmpi ne, %convert_element_type3A_282, %cond3A_283 : i32
      scf.if %cond3A_284 {
        %mul3A_285 = arith.constant 400 : i32
        %mul3A_286 = arith.muli %add3A_248, %mul3A_285 : i32
        %add3A_287 = arith.addi %multiple_of3A, %mul3A_286 : i32
        %multiple_of3A_288 = tpu.assume_multiple %add3A_287, 8 : i32
        %dma_wait3A_289 = arith.constant 3 : i32
        %dma_wait3A_290 = arith.constant 0 : i32
        %dma_wait3A_291 = arith.constant 0 : i32
        %dma_wait3A_292 = tpu.memref_slice %arg6[%dma_wait3A_289, %dma_wait3A_290, %dma_wait3A_291] : memref<4x400x64xf32, #tpu.memory_space<vmem>> -> memref<1x400x64xf32, #tpu.memory_space<vmem>>
        %dma_wait3A_293 = tpu.memref_squeeze %dma_wait3A_292 : memref<1x400x64xf32, #tpu.memory_space<vmem>> -> memref<400x64xf32, #tpu.memory_space<vmem>>
        %dma_wait3A_294 = arith.constant 0 : i32
        %dma_wait3A_295 = tpu.memref_slice %arg4[%multiple_of3A_288, %dma_wait3A_294] : memref<819200x64xf32, #tpu.memory_space<hbm>> -> memref<400x64xf32, #tpu.memory_space<hbm>>
        %dma_wait3A_296 = arith.constant 0 : i32
        %dma_wait3A_297 = tpu.memref_slice %arg4[%multiple_of3A_288, %dma_wait3A_296] : memref<819200x64xf32, #tpu.memory_space<hbm>> -> memref<400x64xf32, #tpu.memory_space<hbm>>
        %dma_wait3A_298 = arith.constant 0 : i32
        %dma_wait3A_299 = arith.constant 0 : i32
        %dma_wait3A_300 = tpu.memref_slice %arg6[%dma_wait3A_289, %dma_wait3A_298, %dma_wait3A_299] : memref<4x400x64xf32, #tpu.memory_space<vmem>> -> memref<1x400x64xf32, #tpu.memory_space<vmem>>
        %dma_wait3A_301 = tpu.memref_squeeze %dma_wait3A_300 : memref<1x400x64xf32, #tpu.memory_space<vmem>> -> memref<400x64xf32, #tpu.memory_space<vmem>>
        tpu.wait_dma2 semaphore(%arg14 : memref<!tpu.dma_semaphore, #tpu.memory_space<semaphore_mem>>) src(%dma_wait3A_301 : memref<400x64xf32, #tpu.memory_space<vmem>>) dst(%dma_wait3A_297 : memref<400x64xf32, #tpu.memory_space<hbm>>)
        %mul3A_302 = arith.constant 400 : i32
        %mul3A_303 = arith.muli %add3A_279, %mul3A_302 : i32
        %add3A_304 = arith.addi %multiple_of3A, %mul3A_303 : i32
        %multiple_of3A_305 = tpu.assume_multiple %add3A_304, 8 : i32
        %run_scoped3A_306 = arith.constant 3 : i32
        "tpu.region"() ({
          %run_scoped3A_319 = tpu.sem_alloc : memref<!tpu.dma_semaphore, #tpu.memory_space<semaphore_mem>>
          %dma_start3A_320 = arith.constant 0 : i32
          %dma_start3A_321 = tpu.memref_slice %arg5[%run_scoped3A_306, %dma_start3A_320] : memref<4x400xi32, #tpu.memory_space<vmem>> -> memref<1x400xi32, #tpu.memory_space<vmem>>
          %dma_start3A_322 = tpu.memref_squeeze %dma_start3A_321 : memref<1x400xi32, #tpu.memory_space<vmem>> -> memref<400xi32, #tpu.memory_space<vmem>>
          %dma_start3A_323 = tpu.memref_slice %arg2[%multiple_of3A_305] : memref<819200xi32, #tpu.memory_space<hbm>> -> memref<400xi32, #tpu.memory_space<hbm>>
          %dma_start3A_324 = arith.constant 0 : i32
          %dma_start3A_325 = tpu.memref_slice %arg5[%run_scoped3A_306, %dma_start3A_324] : memref<4x400xi32, #tpu.memory_space<vmem>> -> memref<1x400xi32, #tpu.memory_space<vmem>>
          %dma_start3A_326 = tpu.memref_squeeze %dma_start3A_325 : memref<1x400xi32, #tpu.memory_space<vmem>> -> memref<400xi32, #tpu.memory_space<vmem>>
          %dma_start3A_327 = tpu.memref_slice %arg2[%multiple_of3A_305] : memref<819200xi32, #tpu.memory_space<hbm>> -> memref<400xi32, #tpu.memory_space<hbm>>
          tpu.enqueue_dma source(%dma_start3A_327 : memref<400xi32, #tpu.memory_space<hbm>>) target(%dma_start3A_326 : memref<400xi32, #tpu.memory_space<vmem>>) target_semaphore(%run_scoped3A_319 : memref<!tpu.dma_semaphore, #tpu.memory_space<semaphore_mem>>)
          %dma_wait3A_328 = arith.constant 0 : i32
          %dma_wait3A_329 = tpu.memref_slice %arg5[%run_scoped3A_306, %dma_wait3A_328] : memref<4x400xi32, #tpu.memory_space<vmem>> -> memref<1x400xi32, #tpu.memory_space<vmem>>
          %dma_wait3A_330 = tpu.memref_squeeze %dma_wait3A_329 : memref<1x400xi32, #tpu.memory_space<vmem>> -> memref<400xi32, #tpu.memory_space<vmem>>
          %dma_wait3A_331 = tpu.memref_slice %arg2[%multiple_of3A_305] : memref<819200xi32, #tpu.memory_space<hbm>> -> memref<400xi32, #tpu.memory_space<hbm>>
          %dma_wait3A_332 = arith.constant 0 : i32
          %dma_wait3A_333 = tpu.memref_slice %arg5[%run_scoped3A_306, %dma_wait3A_332] : memref<4x400xi32, #tpu.memory_space<vmem>> -> memref<1x400xi32, #tpu.memory_space<vmem>>
          %dma_wait3A_334 = tpu.memref_squeeze %dma_wait3A_333 : memref<1x400xi32, #tpu.memory_space<vmem>> -> memref<400xi32, #tpu.memory_space<vmem>>
          %dma_wait3A_335 = tpu.memref_slice %arg2[%multiple_of3A_305] : memref<819200xi32, #tpu.memory_space<hbm>> -> memref<400xi32, #tpu.memory_space<hbm>>
          tpu.wait_dma2 semaphore(%run_scoped3A_319 : memref<!tpu.dma_semaphore, #tpu.memory_space<semaphore_mem>>) src(%dma_wait3A_335 : memref<400xi32, #tpu.memory_space<hbm>>) dst(%dma_wait3A_334 : memref<400xi32, #tpu.memory_space<vmem>>)
          tpu.yield
        }) : () -> ()
        %dma_start3A_307 = arith.constant 3 : i32
        %dma_start3A_308 = arith.constant 3 : i32
        %dma_start3A_309 = arith.constant 0 : i32
        %dma_start3A_310 = arith.constant 0 : i32
        %dma_start3A_311 = tpu.memref_slice %arg6[%dma_start3A_308, %dma_start3A_309, %dma_start3A_310] : memref<4x400x64xf32, #tpu.memory_space<vmem>> -> memref<1x400x64xf32, #tpu.memory_space<vmem>>
        %dma_start3A_312 = tpu.memref_squeeze %dma_start3A_311 : memref<1x400x64xf32, #tpu.memory_space<vmem>> -> memref<400x64xf32, #tpu.memory_space<vmem>>
        %dma_start3A_313 = arith.constant 0 : i32
        %dma_start3A_314 = tpu.memref_slice %arg5[%dma_start3A_307, %dma_start3A_313] : memref<4x400xi32, #tpu.memory_space<vmem>> -> memref<1x400xi32, #tpu.memory_space<vmem>>
        %dma_start3A_315 = tpu.memref_squeeze %dma_start3A_314 : memref<1x400xi32, #tpu.memory_space<vmem>> -> memref<400xi32, #tpu.memory_space<vmem>>
        %dma_start3A_316 = arith.constant 0 : i32
        %dma_start3A_317 = arith.constant 0 : i32
        %dma_start3A_318 = tpu.memref_slice %arg3[%dma_start3A_316, %dma_start3A_317] : memref<2000000x64xf32, #tpu.memory_space<hbm>> -> memref<2000000x64xf32, #tpu.memory_space<hbm>>
        tpu.enqueue_indirect_dma source(%dma_start3A_318 : memref<2000000x64xf32, #tpu.memory_space<hbm>>) target(%dma_start3A_312 : memref<400x64xf32, #tpu.memory_space<vmem>>) offsets(%dma_start3A_315 : memref<400xi32, #tpu.memory_space<vmem>>) semaphore(%arg10 : memref<!tpu.dma_semaphore, #tpu.memory_space<semaphore_mem>>)
      } else {
      }
    }
    %scan3A_69 = arith.constant 16 : i32
    %add3A_70 = arith.constant 24000 : i32
    %add3A_71 = arith.addi %multiple_of3A, %add3A_70 : i32
    %multiple_of3A_72 = tpu.assume_multiple %add3A_71, 8 : i32
    %dma_wait3A = arith.constant 0 : i32
    %dma_wait3A_73 = arith.constant 0 : i32
    %dma_wait3A_74 = arith.constant 0 : i32
    %dma_wait3A_75 = tpu.memref_slice %arg6[%dma_wait3A, %dma_wait3A_73, %dma_wait3A_74] : memref<4x400x64xf32, #tpu.memory_space<vmem>> -> memref<1x400x64xf32, #tpu.memory_space<vmem>>
    %dma_wait3A_76 = tpu.memref_squeeze %dma_wait3A_75 : memref<1x400x64xf32, #tpu.memory_space<vmem>> -> memref<400x64xf32, #tpu.memory_space<vmem>>
    %dma_wait3A_77 = arith.constant 0 : i32
    %dma_wait3A_78 = tpu.memref_slice %arg4[%multiple_of3A_72, %dma_wait3A_77] : memref<819200x64xf32, #tpu.memory_space<hbm>> -> memref<400x64xf32, #tpu.memory_space<hbm>>
    %dma_wait3A_79 = arith.constant 0 : i32
    %dma_wait3A_80 = tpu.memref_slice %arg4[%multiple_of3A_72, %dma_wait3A_79] : memref<819200x64xf32, #tpu.memory_space<hbm>> -> memref<400x64xf32, #tpu.memory_space<hbm>>
    %dma_wait3A_81 = arith.constant 0 : i32
    %dma_wait3A_82 = arith.constant 0 : i32
    %dma_wait3A_83 = tpu.memref_slice %arg6[%dma_wait3A, %dma_wait3A_81, %dma_wait3A_82] : memref<4x400x64xf32, #tpu.memory_space<vmem>> -> memref<1x400x64xf32, #tpu.memory_space<vmem>>
    %dma_wait3A_84 = tpu.memref_squeeze %dma_wait3A_83 : memref<1x400x64xf32, #tpu.memory_space<vmem>> -> memref<400x64xf32, #tpu.memory_space<vmem>>
    tpu.wait_dma2 semaphore(%arg11 : memref<!tpu.dma_semaphore, #tpu.memory_space<semaphore_mem>>) src(%dma_wait3A_84 : memref<400x64xf32, #tpu.memory_space<vmem>>) dst(%dma_wait3A_80 : memref<400x64xf32, #tpu.memory_space<hbm>>)
    %add3A_85 = arith.constant 24400 : i32
    %add3A_86 = arith.addi %multiple_of3A, %add3A_85 : i32
    %multiple_of3A_87 = tpu.assume_multiple %add3A_86, 8 : i32
    %dma_wait3A_88 = arith.constant 1 : i32
    %dma_wait3A_89 = arith.constant 0 : i32
    %dma_wait3A_90 = arith.constant 0 : i32
    %dma_wait3A_91 = tpu.memref_slice %arg6[%dma_wait3A_88, %dma_wait3A_89, %dma_wait3A_90] : memref<4x400x64xf32, #tpu.memory_space<vmem>> -> memref<1x400x64xf32, #tpu.memory_space<vmem>>
    %dma_wait3A_92 = tpu.memref_squeeze %dma_wait3A_91 : memref<1x400x64xf32, #tpu.memory_space<vmem>> -> memref<400x64xf32, #tpu.memory_space<vmem>>
    %dma_wait3A_93 = arith.constant 0 : i32
    %dma_wait3A_94 = tpu.memref_slice %arg4[%multiple_of3A_87, %dma_wait3A_93] : memref<819200x64xf32, #tpu.memory_space<hbm>> -> memref<400x64xf32, #tpu.memory_space<hbm>>
    %dma_wait3A_95 = arith.constant 0 : i32
    %dma_wait3A_96 = tpu.memref_slice %arg4[%multiple_of3A_87, %dma_wait3A_95] : memref<819200x64xf32, #tpu.memory_space<hbm>> -> memref<400x64xf32, #tpu.memory_space<hbm>>
    %dma_wait3A_97 = arith.constant 0 : i32
    %dma_wait3A_98 = arith.constant 0 : i32
    %dma_wait3A_99 = tpu.memref_slice %arg6[%dma_wait3A_88, %dma_wait3A_97, %dma_wait3A_98] : memref<4x400x64xf32, #tpu.memory_space<vmem>> -> memref<1x400x64xf32, #tpu.memory_space<vmem>>
    %dma_wait3A_100 = tpu.memref_squeeze %dma_wait3A_99 : memref<1x400x64xf32, #tpu.memory_space<vmem>> -> memref<400x64xf32, #tpu.memory_space<vmem>>
    tpu.wait_dma2 semaphore(%arg12 : memref<!tpu.dma_semaphore, #tpu.memory_space<semaphore_mem>>) src(%dma_wait3A_100 : memref<400x64xf32, #tpu.memory_space<vmem>>) dst(%dma_wait3A_96 : memref<400x64xf32, #tpu.memory_space<hbm>>)
    %add3A_101 = arith.constant 24800 : i32
    %add3A_102 = arith.addi %multiple_of3A, %add3A_101 : i32
    %multiple_of3A_103 = tpu.assume_multiple %add3A_102, 8 : i32
    %dma_wait3A_104 = arith.constant 2 : i32
    %dma_wait3A_105 = arith.constant 0 : i32
    %dma_wait3A_106 = arith.constant 0 : i32
    %dma_wait3A_107 = tpu.memref_slice %arg6[%dma_wait3A_104, %dma_wait3A_105, %dma_wait3A_106] : memref<4x400x64xf32, #tpu.memory_space<vmem>> -> memref<1x400x64xf32, #tpu.memory_space<vmem>>
    %dma_wait3A_108 = tpu.memref_squeeze %dma_wait3A_107 : memref<1x400x64xf32, #tpu.memory_space<vmem>> -> memref<400x64xf32, #tpu.memory_space<vmem>>
    %dma_wait3A_109 = arith.constant 0 : i32
    %dma_wait3A_110 = tpu.memref_slice %arg4[%multiple_of3A_103, %dma_wait3A_109] : memref<819200x64xf32, #tpu.memory_space<hbm>> -> memref<400x64xf32, #tpu.memory_space<hbm>>
    %dma_wait3A_111 = arith.constant 0 : i32
    %dma_wait3A_112 = tpu.memref_slice %arg4[%multiple_of3A_103, %dma_wait3A_111] : memref<819200x64xf32, #tpu.memory_space<hbm>> -> memref<400x64xf32, #tpu.memory_space<hbm>>
    %dma_wait3A_113 = arith.constant 0 : i32
    %dma_wait3A_114 = arith.constant 0 : i32
    %dma_wait3A_115 = tpu.memref_slice %arg6[%dma_wait3A_104, %dma_wait3A_113, %dma_wait3A_114] : memref<4x400x64xf32, #tpu.memory_space<vmem>> -> memref<1x400x64xf32, #tpu.memory_space<vmem>>
    %dma_wait3A_116 = tpu.memref_squeeze %dma_wait3A_115 : memref<1x400x64xf32, #tpu.memory_space<vmem>> -> memref<400x64xf32, #tpu.memory_space<vmem>>
    tpu.wait_dma2 semaphore(%arg13 : memref<!tpu.dma_semaphore, #tpu.memory_space<semaphore_mem>>) src(%dma_wait3A_116 : memref<400x64xf32, #tpu.memory_space<vmem>>) dst(%dma_wait3A_112 : memref<400x64xf32, #tpu.memory_space<hbm>>)
    %add3A_117 = arith.constant 25200 : i32
    %add3A_118 = arith.addi %multiple_of3A, %add3A_117 : i32
    %multiple_of3A_119 = tpu.assume_multiple %add3A_118, 8 : i32
    %dma_wait3A_120 = arith.constant 3 : i32
    %dma_wait3A_121 = arith.constant 0 : i32
    %dma_wait3A_122 = arith.constant 0 : i32
    %dma_wait3A_123 = tpu.memref_slice %arg6[%dma_wait3A_120, %dma_wait3A_121, %dma_wait3A_122] : memref<4x400x64xf32, #tpu.memory_space<vmem>> -> memref<1x400x64xf32, #tpu.memory_space<vmem>>
    %dma_wait3A_124 = tpu.memref_squeeze %dma_wait3A_123 : memref<1x400x64xf32, #tpu.memory_space<vmem>> -> memref<400x64xf32, #tpu.memory_space<vmem>>
    %dma_wait3A_125 = arith.constant 0 : i32
    %dma_wait3A_126 = tpu.memref_slice %arg4[%multiple_of3A_119, %dma_wait3A_125] : memref<819200x64xf32, #tpu.memory_space<hbm>> -> memref<400x64xf32, #tpu.memory_space<hbm>>
    %dma_wait3A_127 = arith.constant 0 : i32
    %dma_wait3A_128 = tpu.memref_slice %arg4[%multiple_of3A_119, %dma_wait3A_127] : memref<819200x64xf32, #tpu.memory_space<hbm>> -> memref<400x64xf32, #tpu.memory_space<hbm>>
    %dma_wait3A_129 = arith.constant 0 : i32
    %dma_wait3A_130 = arith.constant 0 : i32
    %dma_wait3A_131 = tpu.memref_slice %arg6[%dma_wait3A_120, %dma_wait3A_129, %dma_wait3A_130] : memref<4x400x64xf32, #tpu.memory_space<vmem>> -> memref<1x400x64xf32, #tpu.memory_space<vmem>>
    %dma_wait3A_132 = tpu.memref_squeeze %dma_wait3A_131 : memref<1x400x64xf32, #tpu.memory_space<vmem>> -> memref<400x64xf32, #tpu.memory_space<vmem>>
    tpu.wait_dma2 semaphore(%arg14 : memref<!tpu.dma_semaphore, #tpu.memory_space<semaphore_mem>>) src(%dma_wait3A_132 : memref<400x64xf32, #tpu.memory_space<vmem>>) dst(%dma_wait3A_128 : memref<400x64xf32, #tpu.memory_space<hbm>>)
    return
  }
}

module attributes {stable_mosaic.version = 14 : i64} {
  func.func @retile_kernel(%arg0: i32, %arg1: memref<12800x128xf32, #tpu.memory_space<vmem>>, %arg2: memref<50x64x512xf32, #tpu.memory_space<vmem>>) attributes {dimension_semantics = [#tpu.dimension_semantics<arbitrary>], iteration_bounds = array<i64: 32>, scalar_prefetch = 0 : i64, scratch_operands = 0 : i64, tpu.core_type = #tpu.core_type<tc>, window_params = [{transform_indices = @transform_0, window_bounds = array<i64: 12800, 128>}, {transform_indices = @transform_1, window_bounds = array<i64: 50, 64, 512>}]} {
    %get3A = arith.constant 0 : index
    %get3A_0 = arith.constant 0 : index
    %get3A_1 = vector.load %arg1[%get3A, %get3A_0] : memref<12800x128xf32, #tpu.memory_space<vmem>>, vector<12800x128xf32>
    %reshape3A = vector.shape_cast %get3A_1 : vector<12800x128xf32> to vector<512x25x128xf32>
    %slice3A = vector.extract_strided_slice %reshape3A {offsets = [0, 0, 0], sizes = [512, 1, 128], strides = [1, 1, 1]} : vector<512x25x128xf32> to vector<512x1x128xf32>
    %squeeze3A = vector.shape_cast %slice3A : vector<512x1x128xf32> to vector<512x128xf32>
    %transpose3A = tpu.transpose %squeeze3A, [1, 0] : vector<512x128xf32> -> vector<128x512xf32>
    %slice3A_2 = vector.extract_strided_slice %transpose3A {offsets = [0, 0], sizes = [64, 512], strides = [1, 1]} : vector<128x512xf32> to vector<64x512xf32>
    %swap3A = arith.constant 0 : index
    %swap3A_3 = arith.constant 0 : index
    %swap3A_4 = arith.constant 0 : index
    %swap3A_5 = vector.load %arg2[%swap3A, %swap3A_3, %swap3A_4] : memref<50x64x512xf32, #tpu.memory_space<vmem>>, vector<1x64x512xf32>
    %swap3A_6 = vector.shape_cast %swap3A_5 : vector<1x64x512xf32> to vector<64x512xf32>
    %swap3A_7 = vector.shape_cast %slice3A_2 : vector<64x512xf32> to vector<1x64x512xf32>
    tpu.vector_store %arg2[%swap3A, %swap3A_3, %swap3A_4], %swap3A_7 {strides = array<i32>} : memref<50x64x512xf32, #tpu.memory_space<vmem>>, vector<1x64x512xf32>,
    %slice3A_8 = vector.extract_strided_slice %transpose3A {offsets = [64, 0], sizes = [64, 512], strides = [1, 1]} : vector<128x512xf32> to vector<64x512xf32>
    %swap3A_9 = arith.constant 1 : index
    %swap3A_10 = arith.constant 0 : index
    %swap3A_11 = arith.constant 0 : index
    %swap3A_12 = vector.load %arg2[%swap3A_9, %swap3A_10, %swap3A_11] : memref<50x64x512xf32, #tpu.memory_space<vmem>>, vector<1x64x512xf32>
    %swap3A_13 = vector.shape_cast %swap3A_12 : vector<1x64x512xf32> to vector<64x512xf32>
    %swap3A_14 = vector.shape_cast %slice3A_8 : vector<64x512xf32> to vector<1x64x512xf32>
    tpu.vector_store %arg2[%swap3A_9, %swap3A_10, %swap3A_11], %swap3A_14 {strides = array<i32>} : memref<50x64x512xf32, #tpu.memory_space<vmem>>, vector<1x64x512xf32>,
    %slice3A_15 = vector.extract_strided_slice %reshape3A {offsets = [0, 1, 0], sizes = [512, 1, 128], strides = [1, 1, 1]} : vector<512x25x128xf32> to vector<512x1x128xf32>
    %squeeze3A_16 = vector.shape_cast %slice3A_15 : vector<512x1x128xf32> to vector<512x128xf32>
    %transpose3A_17 = tpu.transpose %squeeze3A_16, [1, 0] : vector<512x128xf32> -> vector<128x512xf32>
    %slice3A_18 = vector.extract_strided_slice %transpose3A_17 {offsets = [0, 0], sizes = [64, 512], strides = [1, 1]} : vector<128x512xf32> to vector<64x512xf32>
    %swap3A_19 = arith.constant 2 : index
    %swap3A_20 = arith.constant 0 : index
    %swap3A_21 = arith.constant 0 : index
    %swap3A_22 = vector.load %arg2[%swap3A_19, %swap3A_20, %swap3A_21] : memref<50x64x512xf32, #tpu.memory_space<vmem>>, vector<1x64x512xf32>
    %swap3A_23 = vector.shape_cast %swap3A_22 : vector<1x64x512xf32> to vector<64x512xf32>
    %swap3A_24 = vector.shape_cast %slice3A_18 : vector<64x512xf32> to vector<1x64x512xf32>
    tpu.vector_store %arg2[%swap3A_19, %swap3A_20, %swap3A_21], %swap3A_24 {strides = array<i32>} : memref<50x64x512xf32, #tpu.memory_space<vmem>>, vector<1x64x512xf32>,
    %slice3A_25 = vector.extract_strided_slice %transpose3A_17 {offsets = [64, 0], sizes = [64, 512], strides = [1, 1]} : vector<128x512xf32> to vector<64x512xf32>
    %swap3A_26 = arith.constant 3 : index
    %swap3A_27 = arith.constant 0 : index
    %swap3A_28 = arith.constant 0 : index
    %swap3A_29 = vector.load %arg2[%swap3A_26, %swap3A_27, %swap3A_28] : memref<50x64x512xf32, #tpu.memory_space<vmem>>, vector<1x64x512xf32>
    %swap3A_30 = vector.shape_cast %swap3A_29 : vector<1x64x512xf32> to vector<64x512xf32>
    %swap3A_31 = vector.shape_cast %slice3A_25 : vector<64x512xf32> to vector<1x64x512xf32>
    tpu.vector_store %arg2[%swap3A_26, %swap3A_27, %swap3A_28], %swap3A_31 {strides = array<i32>} : memref<50x64x512xf32, #tpu.memory_space<vmem>>, vector<1x64x512xf32>,
    %slice3A_32 = vector.extract_strided_slice %reshape3A {offsets = [0, 2, 0], sizes = [512, 1, 128], strides = [1, 1, 1]} : vector<512x25x128xf32> to vector<512x1x128xf32>
    %squeeze3A_33 = vector.shape_cast %slice3A_32 : vector<512x1x128xf32> to vector<512x128xf32>
    %transpose3A_34 = tpu.transpose %squeeze3A_33, [1, 0] : vector<512x128xf32> -> vector<128x512xf32>
    %slice3A_35 = vector.extract_strided_slice %transpose3A_34 {offsets = [0, 0], sizes = [64, 512], strides = [1, 1]} : vector<128x512xf32> to vector<64x512xf32>
    %swap3A_36 = arith.constant 4 : index
    %swap3A_37 = arith.constant 0 : index
    %swap3A_38 = arith.constant 0 : index
    %swap3A_39 = vector.load %arg2[%swap3A_36, %swap3A_37, %swap3A_38] : memref<50x64x512xf32, #tpu.memory_space<vmem>>, vector<1x64x512xf32>
    %swap3A_40 = vector.shape_cast %swap3A_39 : vector<1x64x512xf32> to vector<64x512xf32>
    %swap3A_41 = vector.shape_cast %slice3A_35 : vector<64x512xf32> to vector<1x64x512xf32>
    tpu.vector_store %arg2[%swap3A_36, %swap3A_37, %swap3A_38], %swap3A_41 {strides = array<i32>} : memref<50x64x512xf32, #tpu.memory_space<vmem>>, vector<1x64x512xf32>,
    %slice3A_42 = vector.extract_strided_slice %transpose3A_34 {offsets = [64, 0], sizes = [64, 512], strides = [1, 1]} : vector<128x512xf32> to vector<64x512xf32>
    %swap3A_43 = arith.constant 5 : index
    %swap3A_44 = arith.constant 0 : index
    %swap3A_45 = arith.constant 0 : index
    %swap3A_46 = vector.load %arg2[%swap3A_43, %swap3A_44, %swap3A_45] : memref<50x64x512xf32, #tpu.memory_space<vmem>>, vector<1x64x512xf32>
    %swap3A_47 = vector.shape_cast %swap3A_46 : vector<1x64x512xf32> to vector<64x512xf32>
    %swap3A_48 = vector.shape_cast %slice3A_42 : vector<64x512xf32> to vector<1x64x512xf32>
    tpu.vector_store %arg2[%swap3A_43, %swap3A_44, %swap3A_45], %swap3A_48 {strides = array<i32>} : memref<50x64x512xf32, #tpu.memory_space<vmem>>, vector<1x64x512xf32>,
    %slice3A_49 = vector.extract_strided_slice %reshape3A {offsets = [0, 3, 0], sizes = [512, 1, 128], strides = [1, 1, 1]} : vector<512x25x128xf32> to vector<512x1x128xf32>
    %squeeze3A_50 = vector.shape_cast %slice3A_49 : vector<512x1x128xf32> to vector<512x128xf32>
    %transpose3A_51 = tpu.transpose %squeeze3A_50, [1, 0] : vector<512x128xf32> -> vector<128x512xf32>
    %slice3A_52 = vector.extract_strided_slice %transpose3A_51 {offsets = [0, 0], sizes = [64, 512], strides = [1, 1]} : vector<128x512xf32> to vector<64x512xf32>
    %swap3A_53 = arith.constant 6 : index
    %swap3A_54 = arith.constant 0 : index
    %swap3A_55 = arith.constant 0 : index
    %swap3A_56 = vector.load %arg2[%swap3A_53, %swap3A_54, %swap3A_55] : memref<50x64x512xf32, #tpu.memory_space<vmem>>, vector<1x64x512xf32>
    %swap3A_57 = vector.shape_cast %swap3A_56 : vector<1x64x512xf32> to vector<64x512xf32>
    %swap3A_58 = vector.shape_cast %slice3A_52 : vector<64x512xf32> to vector<1x64x512xf32>
    tpu.vector_store %arg2[%swap3A_53, %swap3A_54, %swap3A_55], %swap3A_58 {strides = array<i32>} : memref<50x64x512xf32, #tpu.memory_space<vmem>>, vector<1x64x512xf32>,
    %slice3A_59 = vector.extract_strided_slice %transpose3A_51 {offsets = [64, 0], sizes = [64, 512], strides = [1, 1]} : vector<128x512xf32> to vector<64x512xf32>
    %swap3A_60 = arith.constant 7 : index
    %swap3A_61 = arith.constant 0 : index
    %swap3A_62 = arith.constant 0 : index
    %swap3A_63 = vector.load %arg2[%swap3A_60, %swap3A_61, %swap3A_62] : memref<50x64x512xf32, #tpu.memory_space<vmem>>, vector<1x64x512xf32>
    %swap3A_64 = vector.shape_cast %swap3A_63 : vector<1x64x512xf32> to vector<64x512xf32>
    %swap3A_65 = vector.shape_cast %slice3A_59 : vector<64x512xf32> to vector<1x64x512xf32>
    tpu.vector_store %arg2[%swap3A_60, %swap3A_61, %swap3A_62], %swap3A_65 {strides = array<i32>} : memref<50x64x512xf32, #tpu.memory_space<vmem>>, vector<1x64x512xf32>,
    %slice3A_66 = vector.extract_strided_slice %reshape3A {offsets = [0, 4, 0], sizes = [512, 1, 128], strides = [1, 1, 1]} : vector<512x25x128xf32> to vector<512x1x128xf32>
    %squeeze3A_67 = vector.shape_cast %slice3A_66 : vector<512x1x128xf32> to vector<512x128xf32>
    %transpose3A_68 = tpu.transpose %squeeze3A_67, [1, 0] : vector<512x128xf32> -> vector<128x512xf32>
    %slice3A_69 = vector.extract_strided_slice %transpose3A_68 {offsets = [0, 0], sizes = [64, 512], strides = [1, 1]} : vector<128x512xf32> to vector<64x512xf32>
    %swap3A_70 = arith.constant 8 : index
    %swap3A_71 = arith.constant 0 : index
    %swap3A_72 = arith.constant 0 : index
    %swap3A_73 = vector.load %arg2[%swap3A_70, %swap3A_71, %swap3A_72] : memref<50x64x512xf32, #tpu.memory_space<vmem>>, vector<1x64x512xf32>
    %swap3A_74 = vector.shape_cast %swap3A_73 : vector<1x64x512xf32> to vector<64x512xf32>
    %swap3A_75 = vector.shape_cast %slice3A_69 : vector<64x512xf32> to vector<1x64x512xf32>
    tpu.vector_store %arg2[%swap3A_70, %swap3A_71, %swap3A_72], %swap3A_75 {strides = array<i32>} : memref<50x64x512xf32, #tpu.memory_space<vmem>>, vector<1x64x512xf32>,
    %slice3A_76 = vector.extract_strided_slice %transpose3A_68 {offsets = [64, 0], sizes = [64, 512], strides = [1, 1]} : vector<128x512xf32> to vector<64x512xf32>
    %swap3A_77 = arith.constant 9 : index
    %swap3A_78 = arith.constant 0 : index
    %swap3A_79 = arith.constant 0 : index
    %swap3A_80 = vector.load %arg2[%swap3A_77, %swap3A_78, %swap3A_79] : memref<50x64x512xf32, #tpu.memory_space<vmem>>, vector<1x64x512xf32>
    %swap3A_81 = vector.shape_cast %swap3A_80 : vector<1x64x512xf32> to vector<64x512xf32>
    %swap3A_82 = vector.shape_cast %slice3A_76 : vector<64x512xf32> to vector<1x64x512xf32>
    tpu.vector_store %arg2[%swap3A_77, %swap3A_78, %swap3A_79], %swap3A_82 {strides = array<i32>} : memref<50x64x512xf32, #tpu.memory_space<vmem>>, vector<1x64x512xf32>,
    %slice3A_83 = vector.extract_strided_slice %reshape3A {offsets = [0, 5, 0], sizes = [512, 1, 128], strides = [1, 1, 1]} : vector<512x25x128xf32> to vector<512x1x128xf32>
    %squeeze3A_84 = vector.shape_cast %slice3A_83 : vector<512x1x128xf32> to vector<512x128xf32>
    %transpose3A_85 = tpu.transpose %squeeze3A_84, [1, 0] : vector<512x128xf32> -> vector<128x512xf32>
    %slice3A_86 = vector.extract_strided_slice %transpose3A_85 {offsets = [0, 0], sizes = [64, 512], strides = [1, 1]} : vector<128x512xf32> to vector<64x512xf32>
    %swap3A_87 = arith.constant 10 : index
    %swap3A_88 = arith.constant 0 : index
    %swap3A_89 = arith.constant 0 : index
    %swap3A_90 = vector.load %arg2[%swap3A_87, %swap3A_88, %swap3A_89] : memref<50x64x512xf32, #tpu.memory_space<vmem>>, vector<1x64x512xf32>
    %swap3A_91 = vector.shape_cast %swap3A_90 : vector<1x64x512xf32> to vector<64x512xf32>
    %swap3A_92 = vector.shape_cast %slice3A_86 : vector<64x512xf32> to vector<1x64x512xf32>
    tpu.vector_store %arg2[%swap3A_87, %swap3A_88, %swap3A_89], %swap3A_92 {strides = array<i32>} : memref<50x64x512xf32, #tpu.memory_space<vmem>>, vector<1x64x512xf32>,
    %slice3A_93 = vector.extract_strided_slice %transpose3A_85 {offsets = [64, 0], sizes = [64, 512], strides = [1, 1]} : vector<128x512xf32> to vector<64x512xf32>
    %swap3A_94 = arith.constant 11 : index
    %swap3A_95 = arith.constant 0 : index
    %swap3A_96 = arith.constant 0 : index
    %swap3A_97 = vector.load %arg2[%swap3A_94, %swap3A_95, %swap3A_96] : memref<50x64x512xf32, #tpu.memory_space<vmem>>, vector<1x64x512xf32>
    %swap3A_98 = vector.shape_cast %swap3A_97 : vector<1x64x512xf32> to vector<64x512xf32>
    %swap3A_99 = vector.shape_cast %slice3A_93 : vector<64x512xf32> to vector<1x64x512xf32>
    tpu.vector_store %arg2[%swap3A_94, %swap3A_95, %swap3A_96], %swap3A_99 {strides = array<i32>} : memref<50x64x512xf32, #tpu.memory_space<vmem>>, vector<1x64x512xf32>,
    %slice3A_100 = vector.extract_strided_slice %reshape3A {offsets = [0, 6, 0], sizes = [512, 1, 128], strides = [1, 1, 1]} : vector<512x25x128xf32> to vector<512x1x128xf32>
    %squeeze3A_101 = vector.shape_cast %slice3A_100 : vector<512x1x128xf32> to vector<512x128xf32>
    %transpose3A_102 = tpu.transpose %squeeze3A_101, [1, 0] : vector<512x128xf32> -> vector<128x512xf32>
    %slice3A_103 = vector.extract_strided_slice %transpose3A_102 {offsets = [0, 0], sizes = [64, 512], strides = [1, 1]} : vector<128x512xf32> to vector<64x512xf32>
    %swap3A_104 = arith.constant 12 : index
    %swap3A_105 = arith.constant 0 : index
    %swap3A_106 = arith.constant 0 : index
    %swap3A_107 = vector.load %arg2[%swap3A_104, %swap3A_105, %swap3A_106] : memref<50x64x512xf32, #tpu.memory_space<vmem>>, vector<1x64x512xf32>
    %swap3A_108 = vector.shape_cast %swap3A_107 : vector<1x64x512xf32> to vector<64x512xf32>
    %swap3A_109 = vector.shape_cast %slice3A_103 : vector<64x512xf32> to vector<1x64x512xf32>
    tpu.vector_store %arg2[%swap3A_104, %swap3A_105, %swap3A_106], %swap3A_109 {strides = array<i32>} : memref<50x64x512xf32, #tpu.memory_space<vmem>>, vector<1x64x512xf32>,
    %slice3A_110 = vector.extract_strided_slice %transpose3A_102 {offsets = [64, 0], sizes = [64, 512], strides = [1, 1]} : vector<128x512xf32> to vector<64x512xf32>
    %swap3A_111 = arith.constant 13 : index
    %swap3A_112 = arith.constant 0 : index
    %swap3A_113 = arith.constant 0 : index
    %swap3A_114 = vector.load %arg2[%swap3A_111, %swap3A_112, %swap3A_113] : memref<50x64x512xf32, #tpu.memory_space<vmem>>, vector<1x64x512xf32>
    %swap3A_115 = vector.shape_cast %swap3A_114 : vector<1x64x512xf32> to vector<64x512xf32>
    %swap3A_116 = vector.shape_cast %slice3A_110 : vector<64x512xf32> to vector<1x64x512xf32>
    tpu.vector_store %arg2[%swap3A_111, %swap3A_112, %swap3A_113], %swap3A_116 {strides = array<i32>} : memref<50x64x512xf32, #tpu.memory_space<vmem>>, vector<1x64x512xf32>,
    %slice3A_117 = vector.extract_strided_slice %reshape3A {offsets = [0, 7, 0], sizes = [512, 1, 128], strides = [1, 1, 1]} : vector<512x25x128xf32> to vector<512x1x128xf32>
    %squeeze3A_118 = vector.shape_cast %slice3A_117 : vector<512x1x128xf32> to vector<512x128xf32>
    %transpose3A_119 = tpu.transpose %squeeze3A_118, [1, 0] : vector<512x128xf32> -> vector<128x512xf32>
    %slice3A_120 = vector.extract_strided_slice %transpose3A_119 {offsets = [0, 0], sizes = [64, 512], strides = [1, 1]} : vector<128x512xf32> to vector<64x512xf32>
    %swap3A_121 = arith.constant 14 : index
    %swap3A_122 = arith.constant 0 : index
    %swap3A_123 = arith.constant 0 : index
    %swap3A_124 = vector.load %arg2[%swap3A_121, %swap3A_122, %swap3A_123] : memref<50x64x512xf32, #tpu.memory_space<vmem>>, vector<1x64x512xf32>
    %swap3A_125 = vector.shape_cast %swap3A_124 : vector<1x64x512xf32> to vector<64x512xf32>
    %swap3A_126 = vector.shape_cast %slice3A_120 : vector<64x512xf32> to vector<1x64x512xf32>
    tpu.vector_store %arg2[%swap3A_121, %swap3A_122, %swap3A_123], %swap3A_126 {strides = array<i32>} : memref<50x64x512xf32, #tpu.memory_space<vmem>>, vector<1x64x512xf32>,
    %slice3A_127 = vector.extract_strided_slice %transpose3A_119 {offsets = [64, 0], sizes = [64, 512], strides = [1, 1]} : vector<128x512xf32> to vector<64x512xf32>
    %swap3A_128 = arith.constant 15 : index
    %swap3A_129 = arith.constant 0 : index
    %swap3A_130 = arith.constant 0 : index
    %swap3A_131 = vector.load %arg2[%swap3A_128, %swap3A_129, %swap3A_130] : memref<50x64x512xf32, #tpu.memory_space<vmem>>, vector<1x64x512xf32>
    %swap3A_132 = vector.shape_cast %swap3A_131 : vector<1x64x512xf32> to vector<64x512xf32>
    %swap3A_133 = vector.shape_cast %slice3A_127 : vector<64x512xf32> to vector<1x64x512xf32>
    tpu.vector_store %arg2[%swap3A_128, %swap3A_129, %swap3A_130], %swap3A_133 {strides = array<i32>} : memref<50x64x512xf32, #tpu.memory_space<vmem>>, vector<1x64x512xf32>,
    %slice3A_134 = vector.extract_strided_slice %reshape3A {offsets = [0, 8, 0], sizes = [512, 1, 128], strides = [1, 1, 1]} : vector<512x25x128xf32> to vector<512x1x128xf32>
    %squeeze3A_135 = vector.shape_cast %slice3A_134 : vector<512x1x128xf32> to vector<512x128xf32>
    %transpose3A_136 = tpu.transpose %squeeze3A_135, [1, 0] : vector<512x128xf32> -> vector<128x512xf32>
    %slice3A_137 = vector.extract_strided_slice %transpose3A_136 {offsets = [0, 0], sizes = [64, 512], strides = [1, 1]} : vector<128x512xf32> to vector<64x512xf32>
    %swap3A_138 = arith.constant 16 : index
    %swap3A_139 = arith.constant 0 : index
    %swap3A_140 = arith.constant 0 : index
    %swap3A_141 = vector.load %arg2[%swap3A_138, %swap3A_139, %swap3A_140] : memref<50x64x512xf32, #tpu.memory_space<vmem>>, vector<1x64x512xf32>
    %swap3A_142 = vector.shape_cast %swap3A_141 : vector<1x64x512xf32> to vector<64x512xf32>
    %swap3A_143 = vector.shape_cast %slice3A_137 : vector<64x512xf32> to vector<1x64x512xf32>
    tpu.vector_store %arg2[%swap3A_138, %swap3A_139, %swap3A_140], %swap3A_143 {strides = array<i32>} : memref<50x64x512xf32, #tpu.memory_space<vmem>>, vector<1x64x512xf32>,
    %slice3A_144 = vector.extract_strided_slice %transpose3A_136 {offsets = [64, 0], sizes = [64, 512], strides = [1, 1]} : vector<128x512xf32> to vector<64x512xf32>
    %swap3A_145 = arith.constant 17 : index
    %swap3A_146 = arith.constant 0 : index
    %swap3A_147 = arith.constant 0 : index
    %swap3A_148 = vector.load %arg2[%swap3A_145, %swap3A_146, %swap3A_147] : memref<50x64x512xf32, #tpu.memory_space<vmem>>, vector<1x64x512xf32>
    %swap3A_149 = vector.shape_cast %swap3A_148 : vector<1x64x512xf32> to vector<64x512xf32>
    %swap3A_150 = vector.shape_cast %slice3A_144 : vector<64x512xf32> to vector<1x64x512xf32>
    tpu.vector_store %arg2[%swap3A_145, %swap3A_146, %swap3A_147], %swap3A_150 {strides = array<i32>} : memref<50x64x512xf32, #tpu.memory_space<vmem>>, vector<1x64x512xf32>,
    %slice3A_151 = vector.extract_strided_slice %reshape3A {offsets = [0, 9, 0], sizes = [512, 1, 128], strides = [1, 1, 1]} : vector<512x25x128xf32> to vector<512x1x128xf32>
    %squeeze3A_152 = vector.shape_cast %slice3A_151 : vector<512x1x128xf32> to vector<512x128xf32>
    %transpose3A_153 = tpu.transpose %squeeze3A_152, [1, 0] : vector<512x128xf32> -> vector<128x512xf32>
    %slice3A_154 = vector.extract_strided_slice %transpose3A_153 {offsets = [0, 0], sizes = [64, 512], strides = [1, 1]} : vector<128x512xf32> to vector<64x512xf32>
    %swap3A_155 = arith.constant 18 : index
    %swap3A_156 = arith.constant 0 : index
    %swap3A_157 = arith.constant 0 : index
    %swap3A_158 = vector.load %arg2[%swap3A_155, %swap3A_156, %swap3A_157] : memref<50x64x512xf32, #tpu.memory_space<vmem>>, vector<1x64x512xf32>
    %swap3A_159 = vector.shape_cast %swap3A_158 : vector<1x64x512xf32> to vector<64x512xf32>
    %swap3A_160 = vector.shape_cast %slice3A_154 : vector<64x512xf32> to vector<1x64x512xf32>
    tpu.vector_store %arg2[%swap3A_155, %swap3A_156, %swap3A_157], %swap3A_160 {strides = array<i32>} : memref<50x64x512xf32, #tpu.memory_space<vmem>>, vector<1x64x512xf32>,
    %slice3A_161 = vector.extract_strided_slice %transpose3A_153 {offsets = [64, 0], sizes = [64, 512], strides = [1, 1]} : vector<128x512xf32> to vector<64x512xf32>
    %swap3A_162 = arith.constant 19 : index
    %swap3A_163 = arith.constant 0 : index
    %swap3A_164 = arith.constant 0 : index
    %swap3A_165 = vector.load %arg2[%swap3A_162, %swap3A_163, %swap3A_164] : memref<50x64x512xf32, #tpu.memory_space<vmem>>, vector<1x64x512xf32>
    %swap3A_166 = vector.shape_cast %swap3A_165 : vector<1x64x512xf32> to vector<64x512xf32>
    %swap3A_167 = vector.shape_cast %slice3A_161 : vector<64x512xf32> to vector<1x64x512xf32>
    tpu.vector_store %arg2[%swap3A_162, %swap3A_163, %swap3A_164], %swap3A_167 {strides = array<i32>} : memref<50x64x512xf32, #tpu.memory_space<vmem>>, vector<1x64x512xf32>,
    %slice3A_168 = vector.extract_strided_slice %reshape3A {offsets = [0, 10, 0], sizes = [512, 1, 128], strides = [1, 1, 1]} : vector<512x25x128xf32> to vector<512x1x128xf32>
    %squeeze3A_169 = vector.shape_cast %slice3A_168 : vector<512x1x128xf32> to vector<512x128xf32>
    %transpose3A_170 = tpu.transpose %squeeze3A_169, [1, 0] : vector<512x128xf32> -> vector<128x512xf32>
    %slice3A_171 = vector.extract_strided_slice %transpose3A_170 {offsets = [0, 0], sizes = [64, 512], strides = [1, 1]} : vector<128x512xf32> to vector<64x512xf32>
    %swap3A_172 = arith.constant 20 : index
    %swap3A_173 = arith.constant 0 : index
    %swap3A_174 = arith.constant 0 : index
    %swap3A_175 = vector.load %arg2[%swap3A_172, %swap3A_173, %swap3A_174] : memref<50x64x512xf32, #tpu.memory_space<vmem>>, vector<1x64x512xf32>
    %swap3A_176 = vector.shape_cast %swap3A_175 : vector<1x64x512xf32> to vector<64x512xf32>
    %swap3A_177 = vector.shape_cast %slice3A_171 : vector<64x512xf32> to vector<1x64x512xf32>
    tpu.vector_store %arg2[%swap3A_172, %swap3A_173, %swap3A_174], %swap3A_177 {strides = array<i32>} : memref<50x64x512xf32, #tpu.memory_space<vmem>>, vector<1x64x512xf32>,
    %slice3A_178 = vector.extract_strided_slice %transpose3A_170 {offsets = [64, 0], sizes = [64, 512], strides = [1, 1]} : vector<128x512xf32> to vector<64x512xf32>
    %swap3A_179 = arith.constant 21 : index
    %swap3A_180 = arith.constant 0 : index
    %swap3A_181 = arith.constant 0 : index
    %swap3A_182 = vector.load %arg2[%swap3A_179, %swap3A_180, %swap3A_181] : memref<50x64x512xf32, #tpu.memory_space<vmem>>, vector<1x64x512xf32>
    %swap3A_183 = vector.shape_cast %swap3A_182 : vector<1x64x512xf32> to vector<64x512xf32>
    %swap3A_184 = vector.shape_cast %slice3A_178 : vector<64x512xf32> to vector<1x64x512xf32>
    tpu.vector_store %arg2[%swap3A_179, %swap3A_180, %swap3A_181], %swap3A_184 {strides = array<i32>} : memref<50x64x512xf32, #tpu.memory_space<vmem>>, vector<1x64x512xf32>,
    %slice3A_185 = vector.extract_strided_slice %reshape3A {offsets = [0, 11, 0], sizes = [512, 1, 128], strides = [1, 1, 1]} : vector<512x25x128xf32> to vector<512x1x128xf32>
    %squeeze3A_186 = vector.shape_cast %slice3A_185 : vector<512x1x128xf32> to vector<512x128xf32>
    %transpose3A_187 = tpu.transpose %squeeze3A_186, [1, 0] : vector<512x128xf32> -> vector<128x512xf32>
    %slice3A_188 = vector.extract_strided_slice %transpose3A_187 {offsets = [0, 0], sizes = [64, 512], strides = [1, 1]} : vector<128x512xf32> to vector<64x512xf32>
    %swap3A_189 = arith.constant 22 : index
    %swap3A_190 = arith.constant 0 : index
    %swap3A_191 = arith.constant 0 : index
    %swap3A_192 = vector.load %arg2[%swap3A_189, %swap3A_190, %swap3A_191] : memref<50x64x512xf32, #tpu.memory_space<vmem>>, vector<1x64x512xf32>
    %swap3A_193 = vector.shape_cast %swap3A_192 : vector<1x64x512xf32> to vector<64x512xf32>
    %swap3A_194 = vector.shape_cast %slice3A_188 : vector<64x512xf32> to vector<1x64x512xf32>
    tpu.vector_store %arg2[%swap3A_189, %swap3A_190, %swap3A_191], %swap3A_194 {strides = array<i32>} : memref<50x64x512xf32, #tpu.memory_space<vmem>>, vector<1x64x512xf32>,
    %slice3A_195 = vector.extract_strided_slice %transpose3A_187 {offsets = [64, 0], sizes = [64, 512], strides = [1, 1]} : vector<128x512xf32> to vector<64x512xf32>
    %swap3A_196 = arith.constant 23 : index
    %swap3A_197 = arith.constant 0 : index
    %swap3A_198 = arith.constant 0 : index
    %swap3A_199 = vector.load %arg2[%swap3A_196, %swap3A_197, %swap3A_198] : memref<50x64x512xf32, #tpu.memory_space<vmem>>, vector<1x64x512xf32>
    %swap3A_200 = vector.shape_cast %swap3A_199 : vector<1x64x512xf32> to vector<64x512xf32>
    %swap3A_201 = vector.shape_cast %slice3A_195 : vector<64x512xf32> to vector<1x64x512xf32>
    tpu.vector_store %arg2[%swap3A_196, %swap3A_197, %swap3A_198], %swap3A_201 {strides = array<i32>} : memref<50x64x512xf32, #tpu.memory_space<vmem>>, vector<1x64x512xf32>,
    %slice3A_202 = vector.extract_strided_slice %reshape3A {offsets = [0, 12, 0], sizes = [512, 1, 128], strides = [1, 1, 1]} : vector<512x25x128xf32> to vector<512x1x128xf32>
    %squeeze3A_203 = vector.shape_cast %slice3A_202 : vector<512x1x128xf32> to vector<512x128xf32>
    %transpose3A_204 = tpu.transpose %squeeze3A_203, [1, 0] : vector<512x128xf32> -> vector<128x512xf32>
    %slice3A_205 = vector.extract_strided_slice %transpose3A_204 {offsets = [0, 0], sizes = [64, 512], strides = [1, 1]} : vector<128x512xf32> to vector<64x512xf32>
    %swap3A_206 = arith.constant 24 : index
    %swap3A_207 = arith.constant 0 : index
    %swap3A_208 = arith.constant 0 : index
    %swap3A_209 = vector.load %arg2[%swap3A_206, %swap3A_207, %swap3A_208] : memref<50x64x512xf32, #tpu.memory_space<vmem>>, vector<1x64x512xf32>
    %swap3A_210 = vector.shape_cast %swap3A_209 : vector<1x64x512xf32> to vector<64x512xf32>
    %swap3A_211 = vector.shape_cast %slice3A_205 : vector<64x512xf32> to vector<1x64x512xf32>
    tpu.vector_store %arg2[%swap3A_206, %swap3A_207, %swap3A_208], %swap3A_211 {strides = array<i32>} : memref<50x64x512xf32, #tpu.memory_space<vmem>>, vector<1x64x512xf32>,
    %slice3A_212 = vector.extract_strided_slice %transpose3A_204 {offsets = [64, 0], sizes = [64, 512], strides = [1, 1]} : vector<128x512xf32> to vector<64x512xf32>
    %swap3A_213 = arith.constant 25 : index
    %swap3A_214 = arith.constant 0 : index
    %swap3A_215 = arith.constant 0 : index
    %swap3A_216 = vector.load %arg2[%swap3A_213, %swap3A_214, %swap3A_215] : memref<50x64x512xf32, #tpu.memory_space<vmem>>, vector<1x64x512xf32>
    %swap3A_217 = vector.shape_cast %swap3A_216 : vector<1x64x512xf32> to vector<64x512xf32>
    %swap3A_218 = vector.shape_cast %slice3A_212 : vector<64x512xf32> to vector<1x64x512xf32>
    tpu.vector_store %arg2[%swap3A_213, %swap3A_214, %swap3A_215], %swap3A_218 {strides = array<i32>} : memref<50x64x512xf32, #tpu.memory_space<vmem>>, vector<1x64x512xf32>,
    %slice3A_219 = vector.extract_strided_slice %reshape3A {offsets = [0, 13, 0], sizes = [512, 1, 128], strides = [1, 1, 1]} : vector<512x25x128xf32> to vector<512x1x128xf32>
    %squeeze3A_220 = vector.shape_cast %slice3A_219 : vector<512x1x128xf32> to vector<512x128xf32>
    %transpose3A_221 = tpu.transpose %squeeze3A_220, [1, 0] : vector<512x128xf32> -> vector<128x512xf32>
    %slice3A_222 = vector.extract_strided_slice %transpose3A_221 {offsets = [0, 0], sizes = [64, 512], strides = [1, 1]} : vector<128x512xf32> to vector<64x512xf32>
    %swap3A_223 = arith.constant 26 : index
    %swap3A_224 = arith.constant 0 : index
    %swap3A_225 = arith.constant 0 : index
    %swap3A_226 = vector.load %arg2[%swap3A_223, %swap3A_224, %swap3A_225] : memref<50x64x512xf32, #tpu.memory_space<vmem>>, vector<1x64x512xf32>
    %swap3A_227 = vector.shape_cast %swap3A_226 : vector<1x64x512xf32> to vector<64x512xf32>
    %swap3A_228 = vector.shape_cast %slice3A_222 : vector<64x512xf32> to vector<1x64x512xf32>
    tpu.vector_store %arg2[%swap3A_223, %swap3A_224, %swap3A_225], %swap3A_228 {strides = array<i32>} : memref<50x64x512xf32, #tpu.memory_space<vmem>>, vector<1x64x512xf32>,
    %slice3A_229 = vector.extract_strided_slice %transpose3A_221 {offsets = [64, 0], sizes = [64, 512], strides = [1, 1]} : vector<128x512xf32> to vector<64x512xf32>
    %swap3A_230 = arith.constant 27 : index
    %swap3A_231 = arith.constant 0 : index
    %swap3A_232 = arith.constant 0 : index
    %swap3A_233 = vector.load %arg2[%swap3A_230, %swap3A_231, %swap3A_232] : memref<50x64x512xf32, #tpu.memory_space<vmem>>, vector<1x64x512xf32>
    %swap3A_234 = vector.shape_cast %swap3A_233 : vector<1x64x512xf32> to vector<64x512xf32>
    %swap3A_235 = vector.shape_cast %slice3A_229 : vector<64x512xf32> to vector<1x64x512xf32>
    tpu.vector_store %arg2[%swap3A_230, %swap3A_231, %swap3A_232], %swap3A_235 {strides = array<i32>} : memref<50x64x512xf32, #tpu.memory_space<vmem>>, vector<1x64x512xf32>,
    %slice3A_236 = vector.extract_strided_slice %reshape3A {offsets = [0, 14, 0], sizes = [512, 1, 128], strides = [1, 1, 1]} : vector<512x25x128xf32> to vector<512x1x128xf32>
    %squeeze3A_237 = vector.shape_cast %slice3A_236 : vector<512x1x128xf32> to vector<512x128xf32>
    %transpose3A_238 = tpu.transpose %squeeze3A_237, [1, 0] : vector<512x128xf32> -> vector<128x512xf32>
    %slice3A_239 = vector.extract_strided_slice %transpose3A_238 {offsets = [0, 0], sizes = [64, 512], strides = [1, 1]} : vector<128x512xf32> to vector<64x512xf32>
    %swap3A_240 = arith.constant 28 : index
    %swap3A_241 = arith.constant 0 : index
    %swap3A_242 = arith.constant 0 : index
    %swap3A_243 = vector.load %arg2[%swap3A_240, %swap3A_241, %swap3A_242] : memref<50x64x512xf32, #tpu.memory_space<vmem>>, vector<1x64x512xf32>
    %swap3A_244 = vector.shape_cast %swap3A_243 : vector<1x64x512xf32> to vector<64x512xf32>
    %swap3A_245 = vector.shape_cast %slice3A_239 : vector<64x512xf32> to vector<1x64x512xf32>
    tpu.vector_store %arg2[%swap3A_240, %swap3A_241, %swap3A_242], %swap3A_245 {strides = array<i32>} : memref<50x64x512xf32, #tpu.memory_space<vmem>>, vector<1x64x512xf32>,
    %slice3A_246 = vector.extract_strided_slice %transpose3A_238 {offsets = [64, 0], sizes = [64, 512], strides = [1, 1]} : vector<128x512xf32> to vector<64x512xf32>
    %swap3A_247 = arith.constant 29 : index
    %swap3A_248 = arith.constant 0 : index
    %swap3A_249 = arith.constant 0 : index
    %swap3A_250 = vector.load %arg2[%swap3A_247, %swap3A_248, %swap3A_249] : memref<50x64x512xf32, #tpu.memory_space<vmem>>, vector<1x64x512xf32>
    %swap3A_251 = vector.shape_cast %swap3A_250 : vector<1x64x512xf32> to vector<64x512xf32>
    %swap3A_252 = vector.shape_cast %slice3A_246 : vector<64x512xf32> to vector<1x64x512xf32>
    tpu.vector_store %arg2[%swap3A_247, %swap3A_248, %swap3A_249], %swap3A_252 {strides = array<i32>} : memref<50x64x512xf32, #tpu.memory_space<vmem>>, vector<1x64x512xf32>,
    %slice3A_253 = vector.extract_strided_slice %reshape3A {offsets = [0, 15, 0], sizes = [512, 1, 128], strides = [1, 1, 1]} : vector<512x25x128xf32> to vector<512x1x128xf32>
    %squeeze3A_254 = vector.shape_cast %slice3A_253 : vector<512x1x128xf32> to vector<512x128xf32>
    %transpose3A_255 = tpu.transpose %squeeze3A_254, [1, 0] : vector<512x128xf32> -> vector<128x512xf32>
    %slice3A_256 = vector.extract_strided_slice %transpose3A_255 {offsets = [0, 0], sizes = [64, 512], strides = [1, 1]} : vector<128x512xf32> to vector<64x512xf32>
    %swap3A_257 = arith.constant 30 : index
    %swap3A_258 = arith.constant 0 : index
    %swap3A_259 = arith.constant 0 : index
    %swap3A_260 = vector.load %arg2[%swap3A_257, %swap3A_258, %swap3A_259] : memref<50x64x512xf32, #tpu.memory_space<vmem>>, vector<1x64x512xf32>
    %swap3A_261 = vector.shape_cast %swap3A_260 : vector<1x64x512xf32> to vector<64x512xf32>
    %swap3A_262 = vector.shape_cast %slice3A_256 : vector<64x512xf32> to vector<1x64x512xf32>
    tpu.vector_store %arg2[%swap3A_257, %swap3A_258, %swap3A_259], %swap3A_262 {strides = array<i32>} : memref<50x64x512xf32, #tpu.memory_space<vmem>>, vector<1x64x512xf32>,
    %slice3A_263 = vector.extract_strided_slice %transpose3A_255 {offsets = [64, 0], sizes = [64, 512], strides = [1, 1]} : vector<128x512xf32> to vector<64x512xf32>
    %swap3A_264 = arith.constant 31 : index
    %swap3A_265 = arith.constant 0 : index
    %swap3A_266 = arith.constant 0 : index
    %swap3A_267 = vector.load %arg2[%swap3A_264, %swap3A_265, %swap3A_266] : memref<50x64x512xf32, #tpu.memory_space<vmem>>, vector<1x64x512xf32>
    %swap3A_268 = vector.shape_cast %swap3A_267 : vector<1x64x512xf32> to vector<64x512xf32>
    %swap3A_269 = vector.shape_cast %slice3A_263 : vector<64x512xf32> to vector<1x64x512xf32>
    tpu.vector_store %arg2[%swap3A_264, %swap3A_265, %swap3A_266], %swap3A_269 {strides = array<i32>} : memref<50x64x512xf32, #tpu.memory_space<vmem>>, vector<1x64x512xf32>,
    %slice3A_270 = vector.extract_strided_slice %reshape3A {offsets = [0, 16, 0], sizes = [512, 1, 128], strides = [1, 1, 1]} : vector<512x25x128xf32> to vector<512x1x128xf32>
    %squeeze3A_271 = vector.shape_cast %slice3A_270 : vector<512x1x128xf32> to vector<512x128xf32>
    %transpose3A_272 = tpu.transpose %squeeze3A_271, [1, 0] : vector<512x128xf32> -> vector<128x512xf32>
    %slice3A_273 = vector.extract_strided_slice %transpose3A_272 {offsets = [0, 0], sizes = [64, 512], strides = [1, 1]} : vector<128x512xf32> to vector<64x512xf32>
    %swap3A_274 = arith.constant 32 : index
    %swap3A_275 = arith.constant 0 : index
    %swap3A_276 = arith.constant 0 : index
    %swap3A_277 = vector.load %arg2[%swap3A_274, %swap3A_275, %swap3A_276] : memref<50x64x512xf32, #tpu.memory_space<vmem>>, vector<1x64x512xf32>
    %swap3A_278 = vector.shape_cast %swap3A_277 : vector<1x64x512xf32> to vector<64x512xf32>
    %swap3A_279 = vector.shape_cast %slice3A_273 : vector<64x512xf32> to vector<1x64x512xf32>
    tpu.vector_store %arg2[%swap3A_274, %swap3A_275, %swap3A_276], %swap3A_279 {strides = array<i32>} : memref<50x64x512xf32, #tpu.memory_space<vmem>>, vector<1x64x512xf32>,
    %slice3A_280 = vector.extract_strided_slice %transpose3A_272 {offsets = [64, 0], sizes = [64, 512], strides = [1, 1]} : vector<128x512xf32> to vector<64x512xf32>
    %swap3A_281 = arith.constant 33 : index
    %swap3A_282 = arith.constant 0 : index
    %swap3A_283 = arith.constant 0 : index
    %swap3A_284 = vector.load %arg2[%swap3A_281, %swap3A_282, %swap3A_283] : memref<50x64x512xf32, #tpu.memory_space<vmem>>, vector<1x64x512xf32>
    %swap3A_285 = vector.shape_cast %swap3A_284 : vector<1x64x512xf32> to vector<64x512xf32>
    %swap3A_286 = vector.shape_cast %slice3A_280 : vector<64x512xf32> to vector<1x64x512xf32>
    tpu.vector_store %arg2[%swap3A_281, %swap3A_282, %swap3A_283], %swap3A_286 {strides = array<i32>} : memref<50x64x512xf32, #tpu.memory_space<vmem>>, vector<1x64x512xf32>,
    %slice3A_287 = vector.extract_strided_slice %reshape3A {offsets = [0, 17, 0], sizes = [512, 1, 128], strides = [1, 1, 1]} : vector<512x25x128xf32> to vector<512x1x128xf32>
    %squeeze3A_288 = vector.shape_cast %slice3A_287 : vector<512x1x128xf32> to vector<512x128xf32>
    %transpose3A_289 = tpu.transpose %squeeze3A_288, [1, 0] : vector<512x128xf32> -> vector<128x512xf32>
    %slice3A_290 = vector.extract_strided_slice %transpose3A_289 {offsets = [0, 0], sizes = [64, 512], strides = [1, 1]} : vector<128x512xf32> to vector<64x512xf32>
    %swap3A_291 = arith.constant 34 : index
    %swap3A_292 = arith.constant 0 : index
    %swap3A_293 = arith.constant 0 : index
    %swap3A_294 = vector.load %arg2[%swap3A_291, %swap3A_292, %swap3A_293] : memref<50x64x512xf32, #tpu.memory_space<vmem>>, vector<1x64x512xf32>
    %swap3A_295 = vector.shape_cast %swap3A_294 : vector<1x64x512xf32> to vector<64x512xf32>
    %swap3A_296 = vector.shape_cast %slice3A_290 : vector<64x512xf32> to vector<1x64x512xf32>
    tpu.vector_store %arg2[%swap3A_291, %swap3A_292, %swap3A_293], %swap3A_296 {strides = array<i32>} : memref<50x64x512xf32, #tpu.memory_space<vmem>>, vector<1x64x512xf32>,
    %slice3A_297 = vector.extract_strided_slice %transpose3A_289 {offsets = [64, 0], sizes = [64, 512], strides = [1, 1]} : vector<128x512xf32> to vector<64x512xf32>
    %swap3A_298 = arith.constant 35 : index
    %swap3A_299 = arith.constant 0 : index
    %swap3A_300 = arith.constant 0 : index
    %swap3A_301 = vector.load %arg2[%swap3A_298, %swap3A_299, %swap3A_300] : memref<50x64x512xf32, #tpu.memory_space<vmem>>, vector<1x64x512xf32>
    %swap3A_302 = vector.shape_cast %swap3A_301 : vector<1x64x512xf32> to vector<64x512xf32>
    %swap3A_303 = vector.shape_cast %slice3A_297 : vector<64x512xf32> to vector<1x64x512xf32>
    tpu.vector_store %arg2[%swap3A_298, %swap3A_299, %swap3A_300], %swap3A_303 {strides = array<i32>} : memref<50x64x512xf32, #tpu.memory_space<vmem>>, vector<1x64x512xf32>,
    %slice3A_304 = vector.extract_strided_slice %reshape3A {offsets = [0, 18, 0], sizes = [512, 1, 128], strides = [1, 1, 1]} : vector<512x25x128xf32> to vector<512x1x128xf32>
    %squeeze3A_305 = vector.shape_cast %slice3A_304 : vector<512x1x128xf32> to vector<512x128xf32>
    %transpose3A_306 = tpu.transpose %squeeze3A_305, [1, 0] : vector<512x128xf32> -> vector<128x512xf32>
    %slice3A_307 = vector.extract_strided_slice %transpose3A_306 {offsets = [0, 0], sizes = [64, 512], strides = [1, 1]} : vector<128x512xf32> to vector<64x512xf32>
    %swap3A_308 = arith.constant 36 : index
    %swap3A_309 = arith.constant 0 : index
    %swap3A_310 = arith.constant 0 : index
    %swap3A_311 = vector.load %arg2[%swap3A_308, %swap3A_309, %swap3A_310] : memref<50x64x512xf32, #tpu.memory_space<vmem>>, vector<1x64x512xf32>
    %swap3A_312 = vector.shape_cast %swap3A_311 : vector<1x64x512xf32> to vector<64x512xf32>
    %swap3A_313 = vector.shape_cast %slice3A_307 : vector<64x512xf32> to vector<1x64x512xf32>
    tpu.vector_store %arg2[%swap3A_308, %swap3A_309, %swap3A_310], %swap3A_313 {strides = array<i32>} : memref<50x64x512xf32, #tpu.memory_space<vmem>>, vector<1x64x512xf32>,
    %slice3A_314 = vector.extract_strided_slice %transpose3A_306 {offsets = [64, 0], sizes = [64, 512], strides = [1, 1]} : vector<128x512xf32> to vector<64x512xf32>
    %swap3A_315 = arith.constant 37 : index
    %swap3A_316 = arith.constant 0 : index
    %swap3A_317 = arith.constant 0 : index
    %swap3A_318 = vector.load %arg2[%swap3A_315, %swap3A_316, %swap3A_317] : memref<50x64x512xf32, #tpu.memory_space<vmem>>, vector<1x64x512xf32>
    %swap3A_319 = vector.shape_cast %swap3A_318 : vector<1x64x512xf32> to vector<64x512xf32>
    %swap3A_320 = vector.shape_cast %slice3A_314 : vector<64x512xf32> to vector<1x64x512xf32>
    tpu.vector_store %arg2[%swap3A_315, %swap3A_316, %swap3A_317], %swap3A_320 {strides = array<i32>} : memref<50x64x512xf32, #tpu.memory_space<vmem>>, vector<1x64x512xf32>,
    %slice3A_321 = vector.extract_strided_slice %reshape3A {offsets = [0, 19, 0], sizes = [512, 1, 128], strides = [1, 1, 1]} : vector<512x25x128xf32> to vector<512x1x128xf32>
    %squeeze3A_322 = vector.shape_cast %slice3A_321 : vector<512x1x128xf32> to vector<512x128xf32>
    %transpose3A_323 = tpu.transpose %squeeze3A_322, [1, 0] : vector<512x128xf32> -> vector<128x512xf32>
    %slice3A_324 = vector.extract_strided_slice %transpose3A_323 {offsets = [0, 0], sizes = [64, 512], strides = [1, 1]} : vector<128x512xf32> to vector<64x512xf32>
    %swap3A_325 = arith.constant 38 : index
    %swap3A_326 = arith.constant 0 : index
    %swap3A_327 = arith.constant 0 : index
    %swap3A_328 = vector.load %arg2[%swap3A_325, %swap3A_326, %swap3A_327] : memref<50x64x512xf32, #tpu.memory_space<vmem>>, vector<1x64x512xf32>
    %swap3A_329 = vector.shape_cast %swap3A_328 : vector<1x64x512xf32> to vector<64x512xf32>
    %swap3A_330 = vector.shape_cast %slice3A_324 : vector<64x512xf32> to vector<1x64x512xf32>
    tpu.vector_store %arg2[%swap3A_325, %swap3A_326, %swap3A_327], %swap3A_330 {strides = array<i32>} : memref<50x64x512xf32, #tpu.memory_space<vmem>>, vector<1x64x512xf32>,
    %slice3A_331 = vector.extract_strided_slice %transpose3A_323 {offsets = [64, 0], sizes = [64, 512], strides = [1, 1]} : vector<128x512xf32> to vector<64x512xf32>
    %swap3A_332 = arith.constant 39 : index
    %swap3A_333 = arith.constant 0 : index
    %swap3A_334 = arith.constant 0 : index
    %swap3A_335 = vector.load %arg2[%swap3A_332, %swap3A_333, %swap3A_334] : memref<50x64x512xf32, #tpu.memory_space<vmem>>, vector<1x64x512xf32>
    %swap3A_336 = vector.shape_cast %swap3A_335 : vector<1x64x512xf32> to vector<64x512xf32>
    %swap3A_337 = vector.shape_cast %slice3A_331 : vector<64x512xf32> to vector<1x64x512xf32>
    tpu.vector_store %arg2[%swap3A_332, %swap3A_333, %swap3A_334], %swap3A_337 {strides = array<i32>} : memref<50x64x512xf32, #tpu.memory_space<vmem>>, vector<1x64x512xf32>,
    %slice3A_338 = vector.extract_strided_slice %reshape3A {offsets = [0, 20, 0], sizes = [512, 1, 128], strides = [1, 1, 1]} : vector<512x25x128xf32> to vector<512x1x128xf32>
    %squeeze3A_339 = vector.shape_cast %slice3A_338 : vector<512x1x128xf32> to vector<512x128xf32>
    %transpose3A_340 = tpu.transpose %squeeze3A_339, [1, 0] : vector<512x128xf32> -> vector<128x512xf32>
    %slice3A_341 = vector.extract_strided_slice %transpose3A_340 {offsets = [0, 0], sizes = [64, 512], strides = [1, 1]} : vector<128x512xf32> to vector<64x512xf32>
    %swap3A_342 = arith.constant 40 : index
    %swap3A_343 = arith.constant 0 : index
    %swap3A_344 = arith.constant 0 : index
    %swap3A_345 = vector.load %arg2[%swap3A_342, %swap3A_343, %swap3A_344] : memref<50x64x512xf32, #tpu.memory_space<vmem>>, vector<1x64x512xf32>
    %swap3A_346 = vector.shape_cast %swap3A_345 : vector<1x64x512xf32> to vector<64x512xf32>
    %swap3A_347 = vector.shape_cast %slice3A_341 : vector<64x512xf32> to vector<1x64x512xf32>
    tpu.vector_store %arg2[%swap3A_342, %swap3A_343, %swap3A_344], %swap3A_347 {strides = array<i32>} : memref<50x64x512xf32, #tpu.memory_space<vmem>>, vector<1x64x512xf32>,
    %slice3A_348 = vector.extract_strided_slice %transpose3A_340 {offsets = [64, 0], sizes = [64, 512], strides = [1, 1]} : vector<128x512xf32> to vector<64x512xf32>
    %swap3A_349 = arith.constant 41 : index
    %swap3A_350 = arith.constant 0 : index
    %swap3A_351 = arith.constant 0 : index
    %swap3A_352 = vector.load %arg2[%swap3A_349, %swap3A_350, %swap3A_351] : memref<50x64x512xf32, #tpu.memory_space<vmem>>, vector<1x64x512xf32>
    %swap3A_353 = vector.shape_cast %swap3A_352 : vector<1x64x512xf32> to vector<64x512xf32>
    %swap3A_354 = vector.shape_cast %slice3A_348 : vector<64x512xf32> to vector<1x64x512xf32>
    tpu.vector_store %arg2[%swap3A_349, %swap3A_350, %swap3A_351], %swap3A_354 {strides = array<i32>} : memref<50x64x512xf32, #tpu.memory_space<vmem>>, vector<1x64x512xf32>,
    %slice3A_355 = vector.extract_strided_slice %reshape3A {offsets = [0, 21, 0], sizes = [512, 1, 128], strides = [1, 1, 1]} : vector<512x25x128xf32> to vector<512x1x128xf32>
    %squeeze3A_356 = vector.shape_cast %slice3A_355 : vector<512x1x128xf32> to vector<512x128xf32>
    %transpose3A_357 = tpu.transpose %squeeze3A_356, [1, 0] : vector<512x128xf32> -> vector<128x512xf32>
    %slice3A_358 = vector.extract_strided_slice %transpose3A_357 {offsets = [0, 0], sizes = [64, 512], strides = [1, 1]} : vector<128x512xf32> to vector<64x512xf32>
    %swap3A_359 = arith.constant 42 : index
    %swap3A_360 = arith.constant 0 : index
    %swap3A_361 = arith.constant 0 : index
    %swap3A_362 = vector.load %arg2[%swap3A_359, %swap3A_360, %swap3A_361] : memref<50x64x512xf32, #tpu.memory_space<vmem>>, vector<1x64x512xf32>
    %swap3A_363 = vector.shape_cast %swap3A_362 : vector<1x64x512xf32> to vector<64x512xf32>
    %swap3A_364 = vector.shape_cast %slice3A_358 : vector<64x512xf32> to vector<1x64x512xf32>
    tpu.vector_store %arg2[%swap3A_359, %swap3A_360, %swap3A_361], %swap3A_364 {strides = array<i32>} : memref<50x64x512xf32, #tpu.memory_space<vmem>>, vector<1x64x512xf32>,
    %slice3A_365 = vector.extract_strided_slice %transpose3A_357 {offsets = [64, 0], sizes = [64, 512], strides = [1, 1]} : vector<128x512xf32> to vector<64x512xf32>
    %swap3A_366 = arith.constant 43 : index
    %swap3A_367 = arith.constant 0 : index
    %swap3A_368 = arith.constant 0 : index
    %swap3A_369 = vector.load %arg2[%swap3A_366, %swap3A_367, %swap3A_368] : memref<50x64x512xf32, #tpu.memory_space<vmem>>, vector<1x64x512xf32>
    %swap3A_370 = vector.shape_cast %swap3A_369 : vector<1x64x512xf32> to vector<64x512xf32>
    %swap3A_371 = vector.shape_cast %slice3A_365 : vector<64x512xf32> to vector<1x64x512xf32>
    tpu.vector_store %arg2[%swap3A_366, %swap3A_367, %swap3A_368], %swap3A_371 {strides = array<i32>} : memref<50x64x512xf32, #tpu.memory_space<vmem>>, vector<1x64x512xf32>,
    %slice3A_372 = vector.extract_strided_slice %reshape3A {offsets = [0, 22, 0], sizes = [512, 1, 128], strides = [1, 1, 1]} : vector<512x25x128xf32> to vector<512x1x128xf32>
    %squeeze3A_373 = vector.shape_cast %slice3A_372 : vector<512x1x128xf32> to vector<512x128xf32>
    %transpose3A_374 = tpu.transpose %squeeze3A_373, [1, 0] : vector<512x128xf32> -> vector<128x512xf32>
    %slice3A_375 = vector.extract_strided_slice %transpose3A_374 {offsets = [0, 0], sizes = [64, 512], strides = [1, 1]} : vector<128x512xf32> to vector<64x512xf32>
    %swap3A_376 = arith.constant 44 : index
    %swap3A_377 = arith.constant 0 : index
    %swap3A_378 = arith.constant 0 : index
    %swap3A_379 = vector.load %arg2[%swap3A_376, %swap3A_377, %swap3A_378] : memref<50x64x512xf32, #tpu.memory_space<vmem>>, vector<1x64x512xf32>
    %swap3A_380 = vector.shape_cast %swap3A_379 : vector<1x64x512xf32> to vector<64x512xf32>
    %swap3A_381 = vector.shape_cast %slice3A_375 : vector<64x512xf32> to vector<1x64x512xf32>
    tpu.vector_store %arg2[%swap3A_376, %swap3A_377, %swap3A_378], %swap3A_381 {strides = array<i32>} : memref<50x64x512xf32, #tpu.memory_space<vmem>>, vector<1x64x512xf32>,
    %slice3A_382 = vector.extract_strided_slice %transpose3A_374 {offsets = [64, 0], sizes = [64, 512], strides = [1, 1]} : vector<128x512xf32> to vector<64x512xf32>
    %swap3A_383 = arith.constant 45 : index
    %swap3A_384 = arith.constant 0 : index
    %swap3A_385 = arith.constant 0 : index
    %swap3A_386 = vector.load %arg2[%swap3A_383, %swap3A_384, %swap3A_385] : memref<50x64x512xf32, #tpu.memory_space<vmem>>, vector<1x64x512xf32>
    %swap3A_387 = vector.shape_cast %swap3A_386 : vector<1x64x512xf32> to vector<64x512xf32>
    %swap3A_388 = vector.shape_cast %slice3A_382 : vector<64x512xf32> to vector<1x64x512xf32>
    tpu.vector_store %arg2[%swap3A_383, %swap3A_384, %swap3A_385], %swap3A_388 {strides = array<i32>} : memref<50x64x512xf32, #tpu.memory_space<vmem>>, vector<1x64x512xf32>,
    %slice3A_389 = vector.extract_strided_slice %reshape3A {offsets = [0, 23, 0], sizes = [512, 1, 128], strides = [1, 1, 1]} : vector<512x25x128xf32> to vector<512x1x128xf32>
    %squeeze3A_390 = vector.shape_cast %slice3A_389 : vector<512x1x128xf32> to vector<512x128xf32>
    %transpose3A_391 = tpu.transpose %squeeze3A_390, [1, 0] : vector<512x128xf32> -> vector<128x512xf32>
    %slice3A_392 = vector.extract_strided_slice %transpose3A_391 {offsets = [0, 0], sizes = [64, 512], strides = [1, 1]} : vector<128x512xf32> to vector<64x512xf32>
    %swap3A_393 = arith.constant 46 : index
    %swap3A_394 = arith.constant 0 : index
    %swap3A_395 = arith.constant 0 : index
    %swap3A_396 = vector.load %arg2[%swap3A_393, %swap3A_394, %swap3A_395] : memref<50x64x512xf32, #tpu.memory_space<vmem>>, vector<1x64x512xf32>
    %swap3A_397 = vector.shape_cast %swap3A_396 : vector<1x64x512xf32> to vector<64x512xf32>
    %swap3A_398 = vector.shape_cast %slice3A_392 : vector<64x512xf32> to vector<1x64x512xf32>
    tpu.vector_store %arg2[%swap3A_393, %swap3A_394, %swap3A_395], %swap3A_398 {strides = array<i32>} : memref<50x64x512xf32, #tpu.memory_space<vmem>>, vector<1x64x512xf32>,
    %slice3A_399 = vector.extract_strided_slice %transpose3A_391 {offsets = [64, 0], sizes = [64, 512], strides = [1, 1]} : vector<128x512xf32> to vector<64x512xf32>
    %swap3A_400 = arith.constant 47 : index
    %swap3A_401 = arith.constant 0 : index
    %swap3A_402 = arith.constant 0 : index
    %swap3A_403 = vector.load %arg2[%swap3A_400, %swap3A_401, %swap3A_402] : memref<50x64x512xf32, #tpu.memory_space<vmem>>, vector<1x64x512xf32>
    %swap3A_404 = vector.shape_cast %swap3A_403 : vector<1x64x512xf32> to vector<64x512xf32>
    %swap3A_405 = vector.shape_cast %slice3A_399 : vector<64x512xf32> to vector<1x64x512xf32>
    tpu.vector_store %arg2[%swap3A_400, %swap3A_401, %swap3A_402], %swap3A_405 {strides = array<i32>} : memref<50x64x512xf32, #tpu.memory_space<vmem>>, vector<1x64x512xf32>,
    %slice3A_406 = vector.extract_strided_slice %reshape3A {offsets = [0, 24, 0], sizes = [512, 1, 128], strides = [1, 1, 1]} : vector<512x25x128xf32> to vector<512x1x128xf32>
    %squeeze3A_407 = vector.shape_cast %slice3A_406 : vector<512x1x128xf32> to vector<512x128xf32>
    %transpose3A_408 = tpu.transpose %squeeze3A_407, [1, 0] : vector<512x128xf32> -> vector<128x512xf32>
    %slice3A_409 = vector.extract_strided_slice %transpose3A_408 {offsets = [0, 0], sizes = [64, 512], strides = [1, 1]} : vector<128x512xf32> to vector<64x512xf32>
    %swap3A_410 = arith.constant 48 : index
    %swap3A_411 = arith.constant 0 : index
    %swap3A_412 = arith.constant 0 : index
    %swap3A_413 = vector.load %arg2[%swap3A_410, %swap3A_411, %swap3A_412] : memref<50x64x512xf32, #tpu.memory_space<vmem>>, vector<1x64x512xf32>
    %swap3A_414 = vector.shape_cast %swap3A_413 : vector<1x64x512xf32> to vector<64x512xf32>
    %swap3A_415 = vector.shape_cast %slice3A_409 : vector<64x512xf32> to vector<1x64x512xf32>
    tpu.vector_store %arg2[%swap3A_410, %swap3A_411, %swap3A_412], %swap3A_415 {strides = array<i32>} : memref<50x64x512xf32, #tpu.memory_space<vmem>>, vector<1x64x512xf32>,
    %slice3A_416 = vector.extract_strided_slice %transpose3A_408 {offsets = [64, 0], sizes = [64, 512], strides = [1, 1]} : vector<128x512xf32> to vector<64x512xf32>
    %swap3A_417 = arith.constant 49 : index
    %swap3A_418 = arith.constant 0 : index
    %swap3A_419 = arith.constant 0 : index
    %swap3A_420 = vector.load %arg2[%swap3A_417, %swap3A_418, %swap3A_419] : memref<50x64x512xf32, #tpu.memory_space<vmem>>, vector<1x64x512xf32>
    %swap3A_421 = vector.shape_cast %swap3A_420 : vector<1x64x512xf32> to vector<64x512xf32>
    %swap3A_422 = vector.shape_cast %slice3A_416 : vector<64x512xf32> to vector<1x64x512xf32>
    tpu.vector_store %arg2[%swap3A_417, %swap3A_418, %swap3A_419], %swap3A_422 {strides = array<i32>} : memref<50x64x512xf32, #tpu.memory_space<vmem>>, vector<1x64x512xf32>,
    return
  }
  func.func @transform_0(%arg0: i32) -> (i32, i32) {
    %c0_i32 = arith.constant 0 : i32
    %c0_i32_0 = arith.constant 0 : i32
    return %arg0, %c0_i32 : i32, i32
  }
  func.func @transform_1(%arg0: i32) -> (i32, i32, i32) {
    %c0_i32 = arith.constant 0 : i32
    %c0_i32_0 = arith.constant 0 : i32
    %c0_i32_1 = arith.constant 0 : i32
    return %c0_i32, %c0_i32_0, %arg0 : i32, i32, i32
  }
}

</mosaic_0001>

<sc_bundles>
// kernel: kernel.4.cloned.1.call-start
scs
__scs_entry_jumppad:
0x0: {  	(pc) =	sbr.rel $0x88, $3  }
0x1: {  	(tag) =	ssettag $0x0;
	lr =	simm.s32 $0x1  }
0x2: {  	[smem:$0x3F9F] =	sst lr;
	_ =	strace $0xD0000000  }
0x3: {  	_ = 	snop  }
0x4: {  	_ = 	snop  }
0x5: {  	_ = 	snop  }
0x6: {  	_ = 	snop  }
0x7: {  	_ = 	snop  }
__scs_overlays_trampoline_lowered:
0x8: {  	[smem:$0x3FAE] =	sst s0  }
0x9: {  	[smem:$0x3FAF] =	sst s1  }
0xa: {  	[smem:$0x3FB0] =	sst s2  }
0xb: {  	[smem:$0x3FB1] =	sst s3  }
0xc: {  	[smem:$0x3FB2] =	sst s4  }
0xd: {  	[smem:$0x3FB3] =	sst s5  }
0xe: {  	[smem:$0x3FB4] =	sst s6  }
0xf: {  	[smem:$0x3FB5] =	sst s7  }
0x10: {  	[smem:$0x3FB6] =	sst s8  }
0x11: {  	[smem:$0x3FB7] =	sst s9;
	s0 =	simm.s32 @!p0 $0x0  }
0x12: {  	s1 =	sld [smem:$0x3F9D];
	s0 =	simm.s32 @p0 $0x1  }
0x13: {  	[smem:$0x3FB8] =	sst s0;
	s0 =	simm.s32 @!p1 $0x0  }
0x14: {  	s2 =	sld [smem:$0x3F9C];
	s0 =	simm.s32 @p1 $0x1  }
0x15: {  	[smem:$0x3FB9] =	sst s0;
	s0 =	simm.s32 @!p2 $0x0  }
0x16: {  	s3 =	sld [smem:$0x3FDB];
	s0 =	simm.s32 @p2 $0x1  }
0x17: {  	s4 =	simm.s32 $0x1BF5;
	[smem:$0x3FBB] =	sst s0  }
0x18: {  	s0 =	sld [smem:$0x3F9E];
	_ =	swait.ge [sflag:s4], $0x0  }
0x19: {  	s7 =	sld [smem:$0x3F9F]  }
0x1a: {  	s8 =	sadd.s32 $0xFFFFE003, lr  }
0x1b: {  	s9 =	sadd.s32 $0xFFFFFEF7, lr;
	s5 =	simm.s32 $0xFFFFFFFF;
	p2 =	slt.u32 s8, $0xFFFFF086  }
0x1c: {  	p1 =	slt.u32 s9, $0xF7A;
	s5 =	simm.s32 @!p2 $0x0  }
0x1d: {  	s5 =	simm.s32 @p1 $0x1;
	p0 =	seq.s32 s7, s2  }
0x1e: {  	s7 =	smul.u32 @!p0 $0xF7A, s2;
	p2 =	seq.s32 @!p0 s5, $0x0  }
0x1f: {  	s9 =	smul.u32 $0xF7A, s1;
	s8 =	simm.s32 @!p0 $0x1BF5;
	p2 =	por !p2, p0  }
0x20: {  	[sflag:s8] =	ssyncset.s32 @!p0 $0xFFFFF086;
	s6 =	sadd.s32 @!p0 s3, s7;
	s7 =	simm.s32 @!p0 $0x108  }
0x21: {  	s3 =	sadd.s32 s3, s9;
	s6 =	sadd.s32 @!p0 $0x88, s6;
	s7 =	simm.s32 @p2 $0x1082  }
0x22: {  	[simem:s7], [sflag:s8] =	dma.local @!p0 [hbm:s6], $0xF7A  }
0x23: {  	s9 =	sor.u32 $0xD0000000, s2;
	s6 =	simm.s32 $0x108;
	_ =	swait.ge @!p0 [sflag:s8], $0x0  }
0x24: {  	s3 =	sadd.s32 $0x88, s3;
	s6 =	simm.s32 @!p1 $0x1082;
	[sflag:s4] =	ssyncset.s32 $0xFFFFF086  }
0x25: {  	[simem:s6], [sflag:s4] =	dma.local [hbm:s3], $0xF7A  }
0x26: {  	[smem:$0x3F9F] =	sst s1;
	(tag) =	ssettag s2;
	_ =	strace s9  }
0x27: {  	s1 =	sld [smem:$0x3FAF]  }
0x28: {  	s2 =	sld [smem:$0x3FB0]  }
0x29: {  	s4 =	sld [smem:$0x3FB2]  }
0x2a: {  	p0 =	seq.s32 s5, $0x0;
	s5 =	sld [smem:$0x3FB3]  }
0x2b: {  	s6 =	sld [smem:$0x3FB4]  }
0x2c: {  	s7 =	sld [smem:$0x3FB5]  }
0x2d: {  	s3 =	simm.s32 $0x108;
	s8 =	sld [smem:$0x3FB6]  }
0x2e: {  	s3 =	simm.s32 @!p0 $0x1082;
	s9 =	sld [smem:$0x3FB7]  }
0x2f: {  	lr =	sadd.s32 s0, s3;
	s0 =	sld [smem:$0x3FAE]  }
0x30: {  	s3 =	sld [smem:$0x3FB1]  }
0x31: {  	[smem:$0x3FBA] =	sst s10  }
0x32: {  	s10 =	sld [smem:$0x3FB8];
	_ =	sdelay $0x3  }
0x33: {  	p0 =	seq.s32 s10, $0x1;
	s10 =	sld [smem:$0x3FBA];
	_ =	sdelay $0x3  }
0x34: {  	[smem:$0x3FBA] =	sst s10  }
0x35: {  	s10 =	sld [smem:$0x3FB9];
	_ =	sdelay $0x3  }
0x36: {  	p1 =	seq.s32 s10, $0x1;
	s10 =	sld [smem:$0x3FBA];
	_ =	sdelay $0x3  }
0x37: {  	[smem:$0x3FBA] =	sst s10  }
0x38: {  	s10 =	sld [smem:$0x3FBB]  }
0x39: {  	_ = 	snop;
	(pc) =	sbr.ind lr, $3  }
0x3a: {  	_ = 	snop  }
0x3b: {  	_ = 	snop  }
0x3c: {  	p2 =	seq.s32 s10, $0x1;
	s10 =	sld [smem:$0x3FBA]  }
0x3d: {  	_ =	shalt  }
0x3e: {  	_ =	shalt  }
0x3f: {  	_ =	shalt  }
0x40: {  	_ =	shalt  }
0x41: {  	_ =	shalt  }
0x42: {  	_ =	shalt  }
0x43: {  	_ =	shalt  }
0x44: {  	_ =	shalt  }
0x45: {  	_ =	shalt  }
0x46: {  	_ =	shalt  }
0x47: {  	_ =	shalt  }
0x48: {  	_ =	shalt  }
0x49: {  	_ =	shalt  }
0x4a: {  	_ =	shalt  }
0x4b: {  	_ =	shalt  }
0x4c: {  	_ =	shalt  }
0x4d: {  	_ =	shalt  }
0x4e: {  	_ =	shalt  }
0x4f: {  	_ =	shalt  }
0x50: {  	_ =	shalt  }
0x51: {  	_ =	shalt  }
0x52: {  	_ =	shalt  }
0x53: {  	_ =	shalt  }
0x54: {  	_ =	shalt  }
0x55: {  	_ =	shalt  }
0x56: {  	_ =	shalt  }
0x57: {  	_ =	shalt  }
0x58: {  	_ =	shalt  }
0x59: {  	_ =	shalt  }
0x5a: {  	_ =	shalt  }
0x5b: {  	_ =	shalt  }
0x5c: {  	_ =	shalt  }
0x5d: {  	_ =	shalt  }
0x5e: {  	_ =	shalt  }
0x5f: {  	_ =	shalt  }
0x60: {  	_ =	shalt  }
0x61: {  	_ =	shalt  }
0x62: {  	_ =	shalt  }
0x63: {  	_ =	shalt  }
0x64: {  	_ =	shalt  }
0x65: {  	_ =	shalt  }
0x66: {  	_ =	shalt  }
0x67: {  	_ =	shalt  }
0x68: {  	_ =	shalt  }
0x69: {  	_ =	shalt  }
0x6a: {  	_ =	shalt  }
0x6b: {  	_ =	shalt  }
0x6c: {  	_ =	shalt  }
0x6d: {  	_ =	shalt  }
0x6e: {  	_ =	shalt  }
0x6f: {  	_ =	shalt  }
0x70: {  	_ =	shalt  }
0x71: {  	_ =	shalt  }
0x72: {  	_ =	shalt  }
0x73: {  	_ =	shalt  }
0x74: {  	_ =	shalt  }
0x75: {  	_ =	shalt  }
0x76: {  	_ =	shalt  }
0x77: {  	_ =	shalt  }
0x78: {  	_ =	shalt  }
0x79: {  	_ =	shalt  }
0x7a: {  	_ =	shalt  }
0x7b: {  	_ =	shalt  }
0x7c: {  	_ =	shalt  }
0x7d: {  	_ =	shalt  }
0x7e: {  	_ =	shalt  }
0x7f: {  	_ =	shalt  }
0x80: {  	_ =	shalt  }
0x81: {  	_ =	shalt  }
0x82: {  	_ =	shalt  }
0x83: {  	_ =	shalt  }
0x84: {  	_ =	shalt  }
0x85: {  	_ =	shalt  }
0x86: {  	_ =	shalt  }
0x87: {  	_ =	shalt  }
.Lfunc_end0:
.L_simem_size_0:
called_computation.1_lowered:
.L_overlay_start_0:
0x88: {  	s2 =	sld [smem:$0x3FD9]  }
0x89: {  	s3 =	sld [smem:$0x3FFE];
	_ =	sdelay $0x1  }
0x8a: {  	s1 =	srdreg.scid  }
0x8b: {  	s0 =	sand.u32 $0x1, s1  }
0x8c: {  	s17 =	sshll.u32 s0, $0xA;
	s2 =	sadd.s32 s3, s2  }
0x8d: {  	s2 =	sadd.s32 s2, s17  }
0x8e: {  	[smem:$0x3FC6] =	sst s2  }
0x8f: {  	_ = 	snop  }
0x90: {  	s2 =	sld [smem:$0x3FD0];
	(tm) =	ssettm $0x1  }
0x91: {  	s18 =	sld [smem:$0x3FFB];
	_ =	sdelay $0x3  }
0x92: {  	_ =	strace s18  }
0x93: {  	s3 =	sld [smem:$0x3FFC];
	_ =	sdelay $0x3  }
0x94: {  	_ =	strace s3  }
0x95: {  	s3 =	sld [smem:$0x3FFD];
	_ =	sdelay $0x3  }
0x96: {  	_ =	strace s3  }
0x97: {  	_ =	strace $0x8FFFFFFF  }
0x98: {  	s19 =	sld [smem:$0x3FDB];
	_ =	sdelay $0x1  }
0x99: {  	s4 =	simm.s32 $_scs_section_size  }
0x9a: {  	s5 =	simm.s32 $_size__tile_overlayer_lowered;
	s6 =	simm.s32 $_tile_overlayer_lowered  }
0x9b: {  	s22 =	simm.s32 $0x1BFF;
	s21 =	sshll.u32 s6, $0x1;
	s3 =	sadd.s32 s4, s19  }
0x9c: {  	s7 =	simm.s32 $0x0;
	s20 =	sshll.u32 s5, $0x1;
	s5 =	sadd.s32 s21, s3  }
0x9d: {  	[timem:s7], [sflag:s22] =	dma.local [hbm:s5], s20  }
0x9e: {  	_ =	swait.ge [sflag:s22], s20  }
0x9f: {  	s4 =	ssub.s32 $0x0, s20;
	[sflag:s22] =	ssyncset.done $0x0  }
0xa0: {  	[sflag:s22] =	ssyncadd.s32 s4;
	_ =	sdelay $0x1  }
0xa1: {  	s23 =	simm.s32 $0x1B8B  }
0xa2: {  	_ =	swait.ge [sflag:s23], $0x1  }
0xa3: {  	[sflag:s23] =	ssyncset.done $0x0  }
0xa4: {  	s25 =	simm.s32 $0x1B8E;
	s24 =	sld [smem:$0x3FFE];
	[sflag:s23] =	ssyncadd.s32 $0xFFFFFFFF  }
0xa5: {  	s26 =	simm.s32 $execute0_lowered;
	[smem:$0x3FD2] =	sst s25  }
0xa6: {  	s5 =	sshll.u32 s26, $0x1;
	_ =	strace $0x80000049;
	[dreg:$0x1] =	wrdreg $0xFFFFFFFF  }
0xa7: {  	s28 =	simm.s32 $_size_execute0_lowered;
	s3 =	sadd.s32 s3, s5;
	[dreg:$0x0] =	wrdreg $0x0  }
0xa8: {  	s5 =	sshll.u32 s28, $0x1;
	[dreg:$0x2] =	wrdreg s3  }
0xa9: {  	[dreg:$0x3] =	wrdreg s5  }
0xaa: {  	[dreg:$0x4] =	wrdreg $0xC0  }
0xab: {  	_ =	task [dreg:s7], $0x5FFFF  }
0xac: {  	[dreg:$0x1] =	wrdreg $0xFFFFFFFF  }
0xad: {  	[dreg:$0x0] =	wrdreg $0x60  }
0xae: {  	[dreg:$0x2] =	wrdreg s2  }
0xaf: {  	[dreg:$0x3] =	wrdreg s24  }
0xb0: {  	[dreg:$0x4] =	wrdreg $0x9  }
0xb1: {  	_ =	task.clear_ibuf [dreg:s7], $0x5FFFF;
	_ =	strace $0x90000049  }
0xb2: {  	s29 =	simm.s32 $0x9;
	_ =	strace $0x8000004B  }
0xb3: {  	_ =	swait.ge [sflag:s29], $0x1  }
0xb4: {  	[sflag:s29] =	ssyncadd.s32 $0xFFFFFFFF  }
0xb5: {  	_ =	strace $0x9000004B  }
0xb6: {  	_ =	sfence  }
0xb7: {  	s30 =	sld [smem:$0x0];
	_ =	sdelay $0x2  }
0xb8: {  	s31 =	sshll.u32 s1, $0xD;
	s1 =	sshrl.u32 s1, $0x2  }
0xb9: {  	s3 =	sand.u32 $0x4000, s31;
	s1 =	sadd.s32 s1, s30  }
0xba: {  	s0 =	sor.u32 s3, s0;
	s1 =	sshll.u32 s1, $0x11  }
0xbb: {  	s0 =	sor.u32 s1, s0  }
0xbc: {  	s0 =	sadd.s32 $0x8F2B, s0  }
0xbd: {  	[sflag:s0] =	ssyncadd.remote.s32 $0x1  }
0xbe: {  	_ =	sfence.sel $0xFFFF  }
0xbf: {  	[dreg:$0x0] =	wrdreg $0xFFFFFFFF;
	(pc) =	sbr.abs _section_cstart, $3  }
0xc0: {  	[dreg:$0x1] =	wrdreg $0xFFFFFFFF  }
0xc1: {  	_ =	task.clear_ibuf [dreg:s7], $0x2FFFF;
	_ =	strace $0x9FFFFFFF  }
0xc2: {  	(tm) =	ssettm $0x7FFFFFFF  }
0xc3: {  	_ =	shalt  }
tec
execute0_lowered:
.L_overlay_start_1:
0x0: {  	(tag) =	ssettag $0x1  }
0x1: {  	s2 =	rddreg [dreg:$0x0]  }
0x2: {  	s0 =	rddreg [dreg:$0x1];
	s1 =	srdreg.scid  }
0x3: {  	s10 =	stileid.u32;
	s3 =	simm.s32 $0x0;
	s28 =	simm.s32 $0x2  }
0x4: {  	s29 =	simm.s32 $0x3;
	s30 =	simm.s32 $0x4;
	s6 =	smul.u32 $0xC800, s10  }
0x5: {  	s1 =	sand.u32 $0x1, s1;
	s4 =	sshll.u32 s10, $0x1;
	s10 =	smul.u32 $0x64000, s10  }
0x6: {  	[smem:$0x7FF] =	sst s3;
	s4 =	sor.u32 s1, s4;
	s8 =	smul.u32 $0x6400, s1  }
0x7: {  	_ =	strace $0x8000004A;
	s7 =	ssub.s32 $0x2, s1;
	s1 =	smul.u32 $0x32000, s1  }
0x8: {  	s5 =	smul.u32 $0x6400, s4;
	s4 =	sadd.s32 $0xF42E00, s0;
	s9 =	sshrl.u32 s7, $0x1  }
0x9: {  	s0 =	sadd.s32 $0xA00, s0;
	s17 =	ssub.s32 s7, s9;
	s6 =	sadd.s32 s8, s6  }
0xa: {  	s5 =	sshrl.u32 s5, $0x3;
	s21 =	sadd.s32 $0xAF0, s6;
	s23 =	sshll.u32 s6, $0x3  }
0xb: {  	s25 =	sadd.s32 $0x960, s6;
	s8 =	sadd.s32 $0x7D0, s6;
	s31 =	sadd.s32 $0x640, s6  }
0xc: {  	s6 =	simm.s32 $0x8;
	s11 =	sadd.s32 s2, s5;
	s5 =	smax.u32 s17, $0x1  }
0xd: {  	s22 =	sshrl.u32 s21, $0x3;
	s24 =	sadd.s32 s23, s0;
	s7 =	sshrl.u32 s25, $0x3  }
0xe: {  	s26 =	sshrl.u32 s8, $0x3;
	[dreg:$0xb] =	wrdreg s31;
	s0 =	sadd.s32 s10, s0  }
0xf: {  	s21 =	simm.s32 $0x6A40;
	s23 =	simm.s32 $0xCE40;
	s25 =	simm.s32 $0x13240  }
0x10: {  	s18 =	sadd.s32 $0x32, s11;
	s19 =	sadd.s32 $0x64, s11;
	[dreg:$0x3] =	wrdreg s11  }
0x11: {  	s20 =	sadd.s32 $0x96, s11;
	[dreg:$0x7] =	wrdreg s5;
	s5 =	sadd.s32 s22, s2  }
0x12: {  	s11 =	sadd.s32 $0x2580, s24;
	s7 =	sadd.s32 s7, s2;
	[dreg:$0x4] =	wrdreg s18  }
0x13: {  	s13 =	sadd.s32 $0x1900, s24;
	s15 =	sadd.s32 $0xC80, s24;
	[dreg:$0x5] =	wrdreg s19  }
.Ltmp0:
0x14: {  	s17 =	sadd.s32 s1, s0;
	[dreg:$0x6] =	wrdreg s20;
	(pc) =	sbr.rel .LBB2_1-.Ltmp0, $4  }
0x15: {  	s24 =	simm.s32 $0x4B0;
	s0 =	simm.s32 $0x6;
	[dreg:$0x8] =	wrdreg s5  }
0x16: {  	s1 =	simm.s32 $0x7;
	[dreg:$0x9] =	wrdreg s7;
	s7 =	sadd.s32 s26, s2  }
0x17: {  	s18 =	simm.s32 $0x9;
	s19 =	simm.s32 $0x190;
	s20 =	simm.s32 $0x640  }
0x18: {  	s26 =	simm.s32 $0x1;
	[dreg:$0xa] =	wrdreg s7;
	s7 =	simm.s32 $0x0  }
.LBB2_4:
0x19: {  	s5 =	simm.s32 $0x5  }
0x1a: {  	_ =	swait.ge [sflag:s5], $0x6400  }
0x1b: {  	[sflag:s5] =	ssyncset.done $0x0  }
0x1c: {  	[sflag:s5] =	ssyncadd.s32 $0xFFFF9C00  }
0x1d: {  	_ =	swait.ge [sflag:s0], $0x6400  }
0x1e: {  	[sflag:s0] =	ssyncset.done $0x0  }
0x1f: {  	[sflag:s0] =	ssyncadd.s32 $0xFFFF9C00  }
0x20: {  	_ =	swait.ge [sflag:s1], $0x6400  }
0x21: {  	[sflag:s1] =	ssyncset.done $0x0  }
0x22: {  	[sflag:s1] =	ssyncadd.s32 $0xFFFF9C00  }
0x23: {  	_ =	swait.ge [sflag:s6], $0x6400  }
0x24: {  	s7 =	sadd.s32 $0x1, s7;
	s31 =	rddreg [dreg:$0x7]  }
0x25: {  	p0 =	sne.s32 s7, s31  }
.Ltmp1:
0x26: {  	_ = 	snop;
	(pc) =	sbr.rel @!p0 .LBB2_5-.Ltmp1, $3  }
0x27: {  	_ =	sdelay $0x1  }
0x28: {  	[sflag:s6] =	ssyncset.done $0x0  }
0x29: {  	[sflag:s6] =	ssyncadd.s32 $0xFFFF9C00  }
.LBB2_1:
0x2a: {  	s5 =	rddreg [dreg:$0x3]  }
0x2b: {  	[tilespmem:s3], [sflag:$0x9] =	stream.linear.gather [hbm4b:s5+s3], $0x190, $0x38;
	[tilespmem:$0x19640] =	vst v63  }
0x2c: {  	_ =	swait.ge [sflag:s18], $0x190  }
0x2d: {  	[sflag:s18] =	ssyncset.done $0x0  }
0x2e: {  	[sflag:s18] =	ssyncadd.s32 $0xFFFFFE70  }
0x2f: {  	[tilespmem:s20], [sflag:$0x1] =	stream.indirect.gather [hbm4b:s4+s19], $0x40, s3, s19, $0xb8;
	[tilespmem:$0x19640] =	vst v63  }
0x30: {  	s16 =	rddreg [dreg:$0x4]  }
0x31: {  	[tilespmem:s19], [sflag:$0x9] =	stream.linear.gather [hbm4b:s16+s3], $0x190, $0x38;
	[tilespmem:$0x19640] =	vst v63  }
0x32: {  	_ =	swait.ge [sflag:s18], $0x190  }
0x33: {  	[sflag:s18] =	ssyncset.done $0x0  }
0x34: {  	[sflag:s18] =	ssyncadd.s32 $0xFFFFFE70  }
0x35: {  	[tilespmem:s21], [sflag:$0x2] =	stream.indirect.gather [hbm4b:s4+s19], $0x40, s19, s19, $0xb8;
	[tilespmem:$0x19640] =	vst v63  }
0x36: {  	s8 =	simm.s32 $0x320;
	s22 =	rddreg [dreg:$0x5]  }
0x37: {  	[tilespmem:s8], [sflag:$0x9] =	stream.linear.gather [hbm4b:s22+s3], $0x190, $0x38;
	[tilespmem:$0x19640] =	vst v63  }
0x38: {  	_ =	swait.ge [sflag:s18], $0x190  }
0x39: {  	[sflag:s18] =	ssyncset.done $0x0  }
0x3a: {  	[sflag:s18] =	ssyncadd.s32 $0xFFFFFE70  }
0x3b: {  	[tilespmem:s23], [sflag:$0x3] =	stream.indirect.gather [hbm4b:s4+s19], $0x40, s8, s19, $0xb8;
	[tilespmem:$0x19640] =	vst v63  }
0x3c: {  	s31 =	rddreg [dreg:$0x6]  }
0x3d: {  	[tilespmem:s24], [sflag:$0x9] =	stream.linear.gather [hbm4b:s31+s3], $0x190, $0x38;
	[tilespmem:$0x19640] =	vst v63  }
0x3e: {  	_ =	swait.ge [sflag:s18], $0x190  }
0x3f: {  	s16 =	rddreg [dreg:$0xb]  }
0x40: {  	s14 =	rddreg [dreg:$0xa]  }
0x41: {  	[sflag:s18] =	ssyncset.done $0x0;
	s12 =	rddreg [dreg:$0x9]  }
0x42: {  	s5 =	simm.s32 $0x0;
	s10 =	rddreg [dreg:$0x8];
	[sflag:s18] =	ssyncadd.s32 $0xFFFFFE70  }
0x43: {  	[tilespmem:s25], [sflag:$0x4] =	stream.indirect.gather [hbm4b:s4+s19], $0x40, s24, s19, $0xb8;
	[tilespmem:$0x19640] =	vst v63  }
.LBB2_2:
0x44: {  	_ =	swait.ge [sflag:s26], $0x6400  }
0x45: {  	[sflag:s26] =	ssyncset.done $0x0  }
0x46: {  	s9 =	sadd.s32 s5, s17;
	p0 =	seq.s32 s5, $0x2EE00;
	[sflag:s26] =	ssyncadd.s32 $0xFFFF9C00  }
0x47: {  	[hbm4b:s9+s3] =	stream.linear.scatter [tilespmem:s20], [sflag:$0x5], $0x6400, $0x38;
	[tilespmem:$0x19640] =	vst v63  }
0x48: {  	s9 =	simm.s32 @!p0 $0x5  }
0x49: {  	_ =	swait.ge @!p0 [sflag:s9], $0x6400  }
0x4a: {  	s8 =	sshrl.u32 @!p0 s16, $0x3;
	[sflag:s9] =	ssyncset.done @!p0 $0x0  }
0x4b: {  	s8 =	sadd.s32 @!p0 s2, s8;
	[sflag:s9] =	ssyncadd.s32 @!p0 $0xFFFF9C00;
	s9 =	simm.s32 @!p0 $0x0  }
0x4c: {  	[tilespmem:s9], [sflag:$0x9] =	stream.linear.gather @!p0 [hbm4b:s8+s9], $0x190, $0x38;
	[tilespmem:$0x19640] =	vst v63  }
0x4d: {  	s8 =	simm.s32 @!p0 $0x9  }
0x4e: {  	_ =	swait.ge @!p0 [sflag:s8], $0x190  }
0x4f: {  	[sflag:s8] =	ssyncset.done @!p0 $0x0  }
0x50: {  	s22 =	simm.s32 @!p0 $0x190;
	s31 =	simm.s32 @!p0 $0x640;
	[sflag:s8] =	ssyncadd.s32 @!p0 $0xFFFFFE70  }
0x51: {  	[tilespmem:s31], [sflag:$0x1] =	stream.indirect.gather @!p0 [hbm4b:s4+s22], $0x40, s9, s22, $0xb8;
	[tilespmem:$0x19640] =	vst v63  }
0x52: {  	_ =	swait.ge [sflag:s28], $0x6400  }
0x53: {  	[sflag:s28] =	ssyncset.done $0x0  }
0x54: {  	s31 =	sadd.s32 s5, s15;
	[sflag:s28] =	ssyncadd.s32 $0xFFFF9C00  }
0x55: {  	[hbm4b:s31+s3] =	stream.linear.scatter [tilespmem:s21], [sflag:$0x6], $0x6400, $0x38;
	[tilespmem:$0x19640] =	vst v63  }
0x56: {  	s31 =	simm.s32 @!p0 $0x6  }
0x57: {  	_ =	swait.ge @!p0 [sflag:s31], $0x6400  }
0x58: {  	[sflag:s31] =	ssyncset.done @!p0 $0x0  }
0x59: {  	[sflag:s31] =	ssyncadd.s32 @!p0 $0xFFFF9C00  }
0x5a: {  	[tilespmem:s22], [sflag:$0x9] =	stream.linear.gather @!p0 [hbm4b:s14+s9], $0x190, $0x38;
	[tilespmem:$0x19640] =	vst v63  }
0x5b: {  	_ =	swait.ge @!p0 [sflag:s8], $0x190  }
0x5c: {  	[sflag:s8] =	ssyncset.done @!p0 $0x0  }
0x5d: {  	s31 =	simm.s32 @!p0 $0x6A40;
	[sflag:s8] =	ssyncadd.s32 @!p0 $0xFFFFFE70  }
0x5e: {  	[tilespmem:s31], [sflag:$0x2] =	stream.indirect.gather @!p0 [hbm4b:s4+s22], $0x40, s22, s22, $0xb8;
	[tilespmem:$0x19640] =	vst v63  }
0x5f: {  	_ =	swait.ge [sflag:s29], $0x6400  }
0x60: {  	[sflag:s29] =	ssyncset.done $0x0  }
0x61: {  	s31 =	sadd.s32 s5, s13;
	[sflag:s29] =	ssyncadd.s32 $0xFFFF9C00  }
0x62: {  	[hbm4b:s31+s3] =	stream.linear.scatter [tilespmem:s23], [sflag:$0x7], $0x6400, $0x38;
	[tilespmem:$0x19640] =	vst v63  }
0x63: {  	s31 =	simm.s32 @!p0 $0x7  }
0x64: {  	_ =	swait.ge @!p0 [sflag:s31], $0x6400  }
0x65: {  	[sflag:s31] =	ssyncset.done @!p0 $0x0  }
0x66: {  	[sflag:s31] =	ssyncadd.s32 @!p0 $0xFFFF9C00;
	s31 =	simm.s32 @!p0 $0x320  }
0x67: {  	[tilespmem:s31], [sflag:$0x9] =	stream.linear.gather @!p0 [hbm4b:s12+s9], $0x190, $0x38;
	[tilespmem:$0x19640] =	vst v63  }
0x68: {  	_ =	swait.ge @!p0 [sflag:s8], $0x190  }
0x69: {  	[sflag:s8] =	ssyncset.done @!p0 $0x0  }
0x6a: {  	[sflag:s8] =	ssyncadd.s32 @!p0 $0xFFFFFE70;
	s8 =	simm.s32 @!p0 $0xCE40  }
0x6b: {  	[tilespmem:s8], [sflag:$0x3] =	stream.indirect.gather @!p0 [hbm4b:s4+s22], $0x40, s31, s22, $0xb8;
	[tilespmem:$0x19640] =	vst v63  }
.Ltmp2:
0x6c: {  	_ = 	snop;
	(pc) =	sbr.rel @p0 .LBB2_4-.Ltmp2, $4  }
0x6d: {  	_ =	swait.ge [sflag:s30], $0x6400  }
0x6e: {  	[sflag:s30] =	ssyncset.done $0x0  }
0x6f: {  	s31 =	sadd.s32 s5, s11;
	[sflag:s30] =	ssyncadd.s32 $0xFFFF9C00  }
0x70: {  	[hbm4b:s31+s3] =	stream.linear.scatter [tilespmem:s25], [sflag:$0x8], $0x6400, $0x38;
	[tilespmem:$0x19640] =	vst v63  }
0x71: {  	_ =	swait.ge [sflag:s6], $0x6400  }
0x72: {  	[sflag:s6] =	ssyncset.done $0x0  }
0x73: {  	[sflag:s6] =	ssyncadd.s32 $0xFFFF9C00  }
0x74: {  	[tilespmem:s24], [sflag:$0x9] =	stream.linear.gather [hbm4b:s10+s3], $0x190, $0x38;
	[tilespmem:$0x19640] =	vst v63  }
.Ltmp3:
0x75: {  	_ = 	snop;
	(pc) =	sbr.rel .LBB2_2-.Ltmp3, $4  }
0x76: {  	s5 =	sadd.s32 $0x3200, s5;
	_ =	swait.ge [sflag:s18], $0x190  }
0x77: {  	s12 =	sadd.s32 $0xC8, s12;
	s14 =	sadd.s32 $0xC8, s14;
	[sflag:s18] =	ssyncset.done $0x0  }
0x78: {  	s16 =	sadd.s32 $0x640, s16;
	s10 =	sadd.s32 $0xC8, s10;
	[sflag:s18] =	ssyncadd.s32 $0xFFFFFE70  }
0x79: {  	[tilespmem:s25], [sflag:$0x4] =	stream.indirect.gather [hbm4b:s4+s19], $0x40, s24, s19, $0xb8;
	[tilespmem:$0x19640] =	vst v63  }
.LBB2_5:
0x7a: {  	_ =	sfence.sel $0x180000  }
0x7b: {  	[bflag:$0x0] =	sbarrier.arrive $0xFFFF  }
0x7c: {  	_ =	strace $0x9000004A  }
0x7d: {  	s0 =	stileid.u32;
	[bflag:$0x2] =	sbarrier.arrive $0xFFFF  }
0x7e: {  	p0 =	sne.s32 s0, $0x0;
	s0 =	rddreg [dreg:$0x2]  }
0x7f: {  	s0 =	sadd.s32 @!p0 $0x100000, s0  }
0x80: {  	[sflag:s0] =	ssyncadd.tile.s32 @!p0 $0x1;
	_ =	shalt  }
.Lfunc_end2:
_tile_overlayer_lowered:
.L_overlay_start_2:
0x81: {  	(tag) =	ssettag $0x2  }
0x82: {  	s0 =	rddreg [dreg:$0x0];
	s2 =	stileid.u32  }
0x83: {  	s1 =	rddreg [dreg:$0x1];
	p0 =	sne.s32 s2, $0x0  }
0x84: {  	s3 =	rddreg [dreg:$0x2];
	[bflag:$0x3] =	sbarrier.arrive $0xFFFF;
	s2 =	simm.s32 @!p0 $0x1C09  }
0x85: {  	[timem:s3], [sflag:s2] =	dma.local @!p0 [hbm:s0], s1  }
0x86: {  	s0 =	simm.s32 @!p0 $0x9  }
0x87: {  	_ =	swait.ge @!p0 [sflag:s0], s1  }
0x88: {  	s1 =	ssub.s32 @!p0 $0x0, s1;
	[sflag:s0] =	ssyncset.done @!p0 $0x0  }
0x89: {  	[sflag:s0] =	ssyncadd.s32 @!p0 s1  }
0x8a: {  	[bflag:$0x3] =	sbarrier.arrive $0xFFFF  }
0x8b: {  	_ =	shalt  }

// kernel: sparse-core-data-format-call.cloned.1.call-start
scs
called_computation_lowered:
.L_overlay_start_0:
0x0: {  	s2 =	sld [smem:$0x3FD9]  }
0x1: {  	s3 =	sld [smem:$0x3FFE];
	_ =	sdelay $0x1  }
0x2: {  	s1 =	srdreg.scid  }
0x3: {  	s0 =	sand.u32 $0x1, s1  }
0x4: {  	s18 =	sshll.u32 s0, $0xA;
	s2 =	sadd.s32 s3, s2  }
0x5: {  	s2 =	sadd.s32 s2, s18  }
0x6: {  	[smem:$0x3FC6] =	sst s2  }
0x7: {  	_ = 	snop  }
0x8: {  	s2 =	sld [smem:$0x3FC8];
	(tm) =	ssettm $0x1  }
0x9: {  	s19 =	sld [smem:$0x3FFB];
	_ =	sdelay $0x3  }
0xa: {  	_ =	strace s19  }
0xb: {  	s3 =	sld [smem:$0x3FFC];
	_ =	sdelay $0x3  }
0xc: {  	_ =	strace s3  }
0xd: {  	s3 =	sld [smem:$0x3FFD];
	_ =	sdelay $0x3  }
0xe: {  	_ =	strace s3  }
0xf: {  	_ =	strace $0x8FFFFFFF  }
0x10: {  	s20 =	sld [smem:$0x3FDB];
	_ =	sdelay $0x1  }
0x11: {  	s4 =	simm.s32 $_scs_section_size  }
0x12: {  	s5 =	simm.s32 $_size__tile_overlayer_lowered;
	s6 =	simm.s32 $_tile_overlayer_lowered  }
0x13: {  	s23 =	simm.s32 $0x1BFF;
	s22 =	sshll.u32 s6, $0x1;
	s3 =	sadd.s32 s4, s20  }
0x14: {  	s7 =	simm.s32 $0x0;
	s21 =	sshll.u32 s5, $0x1;
	s5 =	sadd.s32 s22, s3  }
0x15: {  	[timem:s7], [sflag:s23] =	dma.local [hbm:s5], s21  }
0x16: {  	_ =	swait.ge [sflag:s23], s21  }
0x17: {  	s4 =	ssub.s32 $0x0, s21;
	[sflag:s23] =	ssyncset.done $0x0  }
0x18: {  	[sflag:s23] =	ssyncadd.s32 s4;
	_ =	sdelay $0x1  }
0x19: {  	s24 =	simm.s32 $0x1B8B  }
0x1a: {  	_ =	swait.ge [sflag:s24], $0x1  }
0x1b: {  	[sflag:s24] =	ssyncset.done $0x0  }
0x1c: {  	s26 =	simm.s32 $0x1B8E;
	s25 =	sld [smem:$0x3FFE];
	[sflag:s24] =	ssyncadd.s32 $0xFFFFFFFF  }
0x1d: {  	s27 =	simm.s32 $execute0_lowered;
	[smem:$0x3FD2] =	sst s26  }
0x1e: {  	s5 =	sshll.u32 s27, $0x1;
	_ =	strace $0x80000046;
	[dreg:$0x1] =	wrdreg $0xFFFFFFFF  }
0x1f: {  	s28 =	simm.s32 $_size_execute0_lowered;
	s3 =	sadd.s32 s3, s5;
	[dreg:$0x0] =	wrdreg $0x0  }
0x20: {  	s5 =	sshll.u32 s28, $0x1;
	[dreg:$0x2] =	wrdreg s3  }
0x21: {  	[dreg:$0x3] =	wrdreg s5  }
0x22: {  	[dreg:$0x4] =	wrdreg $0xC0  }
0x23: {  	_ =	task [dreg:s7], $0x5FFFF  }
0x24: {  	[dreg:$0x1] =	wrdreg $0xFFFFFFFF  }
0x25: {  	[dreg:$0x0] =	wrdreg $0x60  }
0x26: {  	[dreg:$0x2] =	wrdreg s2  }
0x27: {  	[dreg:$0x3] =	wrdreg s25  }
0x28: {  	[dreg:$0x4] =	wrdreg $0x9  }
0x29: {  	_ =	task.clear_ibuf [dreg:s7], $0x5FFFF;
	_ =	strace $0x90000046  }
0x2a: {  	s29 =	simm.s32 $0x9;
	_ =	strace $0x80000048  }
0x2b: {  	_ =	swait.ge [sflag:s29], $0x1  }
0x2c: {  	[sflag:s29] =	ssyncadd.s32 $0xFFFFFFFF  }
0x2d: {  	_ =	strace $0x90000048  }
0x2e: {  	_ =	sfence  }
0x2f: {  	s30 =	sld [smem:$0x0];
	_ =	sdelay $0x2  }
0x30: {  	s31 =	sshll.u32 s1, $0xD;
	s1 =	sshrl.u32 s1, $0x2  }
0x31: {  	s3 =	sand.u32 $0x4000, s31;
	s1 =	sadd.s32 s1, s30  }
0x32: {  	s0 =	sor.u32 s3, s0;
	s1 =	sshll.u32 s1, $0x11  }
0x33: {  	s0 =	sor.u32 s1, s0  }
0x34: {  	s0 =	sadd.s32 $0x8F2B, s0  }
0x35: {  	[sflag:s0] =	ssyncadd.remote.s32 $0x1  }
0x36: {  	_ =	sfence.sel $0xFFFF  }
0x37: {  	[dreg:$0x0] =	wrdreg $0xFFFFFFFF;
	(pc) =	sbr.abs _section_cstart, $3  }
0x38: {  	[dreg:$0x1] =	wrdreg $0xFFFFFFFF  }
0x39: {  	_ =	task.clear_ibuf [dreg:s7], $0x2FFFF;
	_ =	strace $0x9FFFFFFF  }
0x3a: {  	(tm) =	ssettm $0x7FFFFFFF  }
0x3b: {  	_ =	shalt  }
tec
execute0_lowered:
.L_overlay_start_1:
0x0: {  	(tag) =	ssettag $0x1  }
0x1: {  	s0 =	srdreg.scid;
	s2 =	rddreg [dreg:$0x0]  }
0x2: {  	s5 =	rddreg [dreg:$0x1];
	s1 =	stileid.u32  }
0x3: {  	s4 =	simm.s32 $0x1;
	s6 =	simm.s32 $0x2;
	s15 =	simm.s32 $0x0  }
0x4: {  	p0 =	por $0x0, $0x0;
	s8 =	simm.s32 $0x80;
	s0 =	sshll.u32 s0, $0x4  }
0x5: {  	s14 =	simm.s32 $0x0;
	s9 =	simm.s32 $0x0;
	s3 =	sand.u32 $0x10, s0  }
.Ltmp0:
0x6: {  	s10 =	simm.s32 $0x0;
	s3 =	sor.u32 s1, s3;
	(pc) =	sbr.rel .LBB1_1-.Ltmp0, $4  }
0x7: {  	s0 =	rddreg [dreg:$0x2];
	_ =	strace $0x80000047;
	s3 =	sshll.u32 s3, $0x7  }
0x8: {  	s12 =	simm.s32 $0x0;
	[sflag:s4] =	ssyncpa.u1 $0x0;
	s7 =	ssub.s32 $0xF4200, s3  }
0x9: {  	s13 =	simm.s32 $0x0;
	[sflag:s6] =	ssyncpa.u1 $0x0;
	s6 =	sshrl.u32 s7, $0xC  }
0xa: {  	s5 =	sadd.s32 $0xA00, s5;
	s11 =	smov.u32 s3;
	s7 =	sadd.s32 $0x2, s6  }
.LBB1_5:
0xb: {  	p1 =	slt.u32 s13, $0x2  }
0xc: {  	s17 =	smov.u32 s15;
	p2 =	sgt.s32 @!p1 s15, $0xF41C0;
	s16 =	sshra.s32 @!p1 s15, $0x1F  }
0xd: {  	p3 =	sgt.s32 @!p1 s14, $0x40;
	s18 =	sshra.s32 @!p1 s14, $0x1F;
	p2 =	por !p2, p1  }
0xe: {  	s15 =	sand.u32 @!p1 s16, s15;
	p3 =	por !p3, p1;
	s16 =	smov.u32 s14  }
0xf: {  	s14 =	sand.u32 @!p1 s18, s14;
	s17 =	simm.s32 @p2 $0xF41C0;
	s16 =	simm.s32 @p3 $0x40  }
0x10: {  	s15 =	ssub.s32 @!p1 s17, s15;
	s14 =	ssub.s32 @!p1 s16, s14  }
0x11: {  	s18 =	smov.u32 s12;
	s16 =	sadd.s32 @!p1 $0xFFF0BE40, s15;
	s17 =	sadd.s32 @!p1 $0xFFFFFFC0, s14  }
0x12: {  	s15 =	ssub.s32 @!p1 $0xF4240, s15;
	p2 =	sgt.s32 @!p1 s16, $0x7F;
	p3 =	sgt.s32 @!p1 s17, $0x3F  }
0x13: {  	s14 =	ssub.s32 @!p1 $0x80, s14;
	p2 =	por !p2, p1;
	p3 =	por !p3, p1  }
0x14: {  	s16 =	sadd.s32 $0x1000, s11;
	s15 =	simm.s32 @!p2 $0x0;
	s14 =	simm.s32 @!p3 $0x0  }
0x15: {  	p2 =	sgt.s32 s16, $0xF423F;
	s14 =	smul.u32 @!p1 s14, s15;
	s15 =	sadd.s32 $0x40, s12  }
0x16: {  	s18 =	smov.u32 @p2 s15  }
0x17: {  	s16 =	smov.u32 @p2 s3;
	p2 =	sgt.s32 s18, $0x3F  }
0x18: {  	s18 =	simm.s32 @p2 $0x0;
	p2 =	sne.s32 s13, s7  }
.Ltmp1:
0x19: {  	p0 =	por !p0, !p0;
	s17 =	simm.s32 @!p1 $0x2;
	(pc) =	sbr.rel @!p2 .LBB1_6-.Ltmp1, $4  }
0x1a: {  	s15 =	smov.u32 s9;
	s9 =	smov.u32 s11;
	s14 =	sand.u32 @!p1 $0x3FFFFFFF, s14  }
0x1b: {  	s11 =	smov.u32 s16;
	_ =	swait.ge @!p1 [sflag:s17], s14;
	s19 =	ssub.s32 @!p1 $0x0, s14  }
0x1c: {  	s14 =	smov.u32 s10;
	s13 =	sadd.s32 $0x1, s13;
	[sflag:s17] =	ssyncset.done @!p1 $0x0  }
0x1d: {  	s10 =	smov.u32 s12;
	s12 =	smov.u32 s18;
	[sflag:s17] =	ssyncadd.s32 @!p1 s19  }
.LBB1_1:
0x1e: {  	p1 =	sgt.u32 s13, s6  }
0x1f: {  	s16 =	sshrl.u32 @!p1 s12, $0x3  }
0x20: {  	s17 =	sshll.u32 @!p1 s11, $0x3;
	s16 =	smul.u32 @!p1 $0x7A1400, s16  }
0x21: {  	s18 =	sshll.u32 @!p1 s12, $0x7;
	s17 =	sand.u32 @!p1 $0xFFFFFC00, s17  }
0x22: {  	s16 =	sadd.s32 @!p1 s16, s17;
	s17 =	sand.u32 @!p1 $0x380, s18  }
0x23: {  	s18 =	sand.u32 @!p1 $0x7F, s11;
	s16 =	sor.u32 @!p1 s17, s16  }
0x24: {  	s17 =	sor.u32 @!p1 s18, s16  }
0x25: {  	s18 =	smulhi.u32 @!p1 $0x218D6287, s17;
	_ =	sdelay $0x1  }
0x26: {  	s16 =	smulhi.u32 @!p1 $0x218D6287, s16;
	s18 =	sshrl.u32 @!p1 s18, $0x11  }
0x27: {  	s18 =	smul.u32 @!p1 $0xF4280, s18  }
0x28: {  	s19 =	sxor.u32 @!p1 $0xFFFFFFFF, s13;
	s16 =	sshrl.u32 @!p1 s16, $0x11  }
0x29: {  	s19 =	sshll.u32 @!p1 s19, $0xD;
	s16 =	sand.u32 @!p1 $0x3F, s16;
	s17 =	ssub.s32 @!p1 s17, s18  }
0x2a: {  	s16 =	smul.u32 @!p1 $0x1E850, s16;
	s18 =	sshrl.u32 @!p1 s17, $0x3;
	s17 =	sand.u32 @!p1 $0x7, s17  }
0x2b: {  	s19 =	sand.u32 @!p1 $0x2000, s19;
	s18 =	sadd.s32 @!p1 s2, s18;
	s17 =	sshll.u32 @!p1 s17, $0x12  }
0x2c: {  	s16 =	sadd.s32 @!p1 s16, s18;
	s17 =	sor.u32 @!p1 $0x400, s17;
	s18 =	simm.s32 @!p1 $0x7A1400  }
0x2d: {  	[tilespmem:s19], [sflag:$0x1] =	stream.strided.gather @!p1 [hbm4b:s16+s17], $0x2000, s18, s17, $0x38;
	[tilespmem:$0x8100] =	vst v63  }
0x2e: {  	p1 =	seq.s32 s13, $0x0  }
0x2f: {  	p2 =	sge.u32 @!p1 s13, s7  }
0x30: {  	p1 =	por p1, p2  }
.Ltmp2:
0x31: {  	_ = 	snop;
	(pc) =	sbr.rel @p1 .LBB1_5-.Ltmp2, $1  }
0x32: {  	_ =	sdelay $0x3  }
0x33: {  	s16 =	simm.s32 $0x1  }
0x34: {  	_ =	swait.ge [sflag:s4], $0x2000;
	s16 =	simm.s32 @!p0 $0x0  }
0x35: {  	[sflag:s4] =	ssyncset.done $0x0;
	s17 =	sshll.u32 s16, $0xD  }
0x36: {  	[sflag:s4] =	ssyncadd.s32 $0xFFFFE000;
	s17 =	sor.u32 $0x40, s17  }
0x37: {  	s16 =	smul.u32 $0x8200, s16;
	v0 =	vld [tilespmem:s17+$0x30]  }
0x38: {  	v1 =	vld [tilespmem:s17+$0xFFFFFFD0]  }
0x39: {  	s16 =	sshrl.u32 s16, $0x2;
	v5 =	vld [tilespmem:s17+$0xFFFFFFE0]  }
0x3a: {  	v6 =	vld [tilespmem:s17+$0xFFFFFFF0];
	s19 =	sor.u32 $0x4000, s16  }
0x3b: {  	s31 =	sand.u32 $0x1, s13;
	v4 =	vld [tilespmem:s17+$0x0];
	s18 =	sadd.s32 $0x0, s19  }
0x3c: {  	v3 =	vld [tilespmem:s17+$0x10];
	s16 =	smul.u32 $0x8200, s31;
	[tilespmem:s18+$0x1C70 ss:$0x41] =	vst.msk $0xffff, v0  }
0x3d: {  	v2 =	vld [tilespmem:s17+$0x20];
	[tilespmem:s18+$0x410 ss:$0x41] =	vst.msk $0xffff, v1  }
0x3e: {  	s16 =	sshrl.u32 s16, $0x2;
	v1 =	vld [tilespmem:s17+$0xFFFFFFC0];
	[tilespmem:s18+$0x820 ss:$0x41] =	vst.msk $0xffff, v5;
	s17 =	sadd.s32 $0x80, s17  }
0x3f: {  	s20 =	simm.s32 $0x4;
	s21 =	simm.s32 $0x8;
	s16 =	sor.u32 $0x4000, s16;
	[tilespmem:s18+$0xC30 ss:$0x41] =	vst.msk $0xffff, v6;
	v0 =	vld [tilespmem:s17+$0x30]  }
.LBB1_3:
0x40: {  	p1 =	sne.s32 s21, $0xFC;
	v5 =	vld [tilespmem:s17+$0xFFFFFFD0];
	[tilespmem:s18+$0x1040 ss:$0x41] =	vst.msk $0xffff, v4  }
0x41: {  	v6 =	vld [tilespmem:s17+$0xFFFFFFE0];
	[tilespmem:s18+$0x1450 ss:$0x41] =	vst.msk $0xffff, v3  }
0x42: {  	s22 =	sshra.s32 s20, $0x2;
	s20 =	smov.u32 s21;
	v7 =	vld [tilespmem:s17+$0xFFFFFFF0];
	[tilespmem:s18+$0x1860 ss:$0x41] =	vst.msk $0xffff, v2  }
.Ltmp3:
0x43: {  	v4 =	vld [tilespmem:s17+$0x0];
	[tilespmem:s18+$0x0 ss:$0x41] =	vst.msk $0xffff, v1;
	s18 =	sadd.s32 s22, s19;
	(pc) =	sbr.rel @p1 .LBB1_3-.Ltmp3, $4  }
0x44: {  	v3 =	vld [tilespmem:s17+$0x10];
	[tilespmem:s18+$0x1C70 ss:$0x41] =	vst.msk $0xffff, v0  }
0x45: {  	[tilespmem:s18+$0x410 ss:$0x41] =	vst.msk $0xffff, v5;
	v2 =	vld [tilespmem:s17+$0x20]  }
0x46: {  	v1 =	vld [tilespmem:s17+$0xFFFFFFC0];
	[tilespmem:s18+$0x820 ss:$0x41] =	vst.msk $0xffff, v6;
	s17 =	sadd.s32 $0x80, s17  }
0x47: {  	s21 =	sadd.s32 $0x4, s21;
	v0 =	vld [tilespmem:s17+$0x30];
	[tilespmem:s18+$0xC30 ss:$0x41] =	vst.msk $0xffff, v7  }
0x48: {  	s21 =	sshll.u32 s9, $0x7;
	s22 =	sshll.u32 s10, $0x3;
	s20 =	sshra.s32 s20, $0x2  }
0x49: {  	p1 =	sgt.s32 s9, $0xF41C0;
	s30 =	sshra.s32 s9, $0x1F;
	s25 =	sshra.s32 s10, $0x1F  }
0x4a: {  	v5 =	vld [tilespmem:s17+$0xFFFFFFD0];
	s28 =	sshrl.u32 s10, $0x3;
	s23 =	sand.u32 $0xFFFFFC00, s21;
	s22 =	sand.u32 $0xFFFFFC00, s22  }
0x4b: {  	[tilespmem:s18+$0x1040 ss:$0x41] =	vst.msk $0xffff, v4;
	v58 =	vld [tilespmem:s17+$0xFFFFFFE0];
	s21 =	sand.u32 $0x380, s21;
	s19 =	sadd.s32 s20, s19;
	s22 =	sadd.s32 s22, s23  }
0x4c: {  	v59 =	vld [tilespmem:s17+$0xFFFFFFF0];
	[tilespmem:s18+$0x1450 ss:$0x41] =	vst.msk $0xffff, v3;
	s29 =	sor.u32 s21, s22;
	s21 =	smov.u32 s9;
	s22 =	sand.u32 s30, s9  }
0x4d: {  	v60 =	vld [tilespmem:s17+$0x0];
	[tilespmem:s18+$0x1860 ss:$0x41] =	vst.msk $0xffff, v2;
	s30 =	sand.u32 $0x7, s10;
	s20 =	sshrl.u32 s29, $0x7;
	s21 =	simm.s32 @!p1 $0xF41C0  }
0x4e: {  	v61 =	vld [tilespmem:s17+$0x10];
	[tilespmem:s18+$0x0 ss:$0x41] =	vst.msk $0xffff, v1;
	p1 =	sgt.s32 s10, $0x40;
	s24 =	ssub.s32 s21, s22;
	s21 =	smov.u32 s10  }
0x4f: {  	v62 =	vld [tilespmem:s17+$0x20];
	[tilespmem:s19+$0x1C70 ss:$0x41] =	vst.msk $0xffff, v0;
	s31 =	smulhi.u32 $0x218DEF5, s20;
	s22 =	sand.u32 s25, s10;
	s21 =	simm.s32 @!p1 $0x40  }
0x50: {  	v63 =	vld [tilespmem:s17+$0xFFFFFFC0];
	[tilespmem:s19+$0x410 ss:$0x41] =	vst.msk $0xffff, v5;
	s26 =	sadd.s32 $0xFFF0BE40, s24;
	s17 =	ssub.s32 $0xF4240, s24;
	s21 =	ssub.s32 s21, s22  }
0x51: {  	[tilespmem:s19+$0x820 ss:$0x41] =	vst.msk $0xffff, v58;
	s23 =	sshrl.u32 s31, $0xD;
	p1 =	sgt.s32 s26, $0x7F;
	s27 =	sadd.s32 $0xFFFFFFC0, s21  }
0x52: {  	[tilespmem:s19+$0xC30 ss:$0x41] =	vst.msk $0xffff, v59;
	s23 =	smul.u32 $0xF4240, s23;
	s18 =	ssub.s32 $0x80, s21;
	p2 =	sgt.s32 s27, $0x3F  }
.Ltmp4:
0x53: {  	[tilespmem:s19+$0x1040 ss:$0x41] =	vst.msk $0xffff, v60;
	s17 =	simm.s32 @p1 $0x0;
	s18 =	simm.s32 @p2 $0x0;
	(pc) =	sbr.rel .LBB1_5-.Ltmp4, $4  }
0x54: {  	s29 =	sand.u32 $0xF, s28;
	[tilespmem:s19+$0x1450 ss:$0x41] =	vst.msk $0xffff, v61;
	s20 =	ssub.s32 s20, s23;
	s17 =	smul.u32 s18, s17  }
0x55: {  	[tilespmem:s19+$0x1860 ss:$0x41] =	vst.msk $0xffff, v62;
	s21 =	sshll.u32 s30, $0x12;
	s20 =	sshll.u32 s20, $0x4;
	s18 =	sadd.s32 s5, s29  }
0x56: {  	[tilespmem:s19+$0x0 ss:$0x41] =	vst.msk $0xffff, v63;
	s31 =	sor.u32 $0x40, s21;
	s18 =	sadd.s32 s20, s18;
	s17 =	sand.u32 $0x3FFFFFFF, s17  }
0x57: {  	[hbm4b:s18+s31] =	stream.strided.scatter [tilespmem:s16], [sflag:$0x2], s17, s8, s31, $0x18;
	[tilespmem:$0x8100] =	vst v63  }
.LBB1_6:
0x58: {  	_ =	sfence.sel $0x180000  }
0x59: {  	s2 =	simm.s32 $0x1;
	[bflag:$0x0] =	sbarrier.arrive $0xFFFF  }
0x5a: {  	s31 =	simm.s32 $0x2;
	[sflag:s2] =	ssyncpa.u1 $0x1  }
0x5b: {  	[sflag:s31] =	ssyncpa.u1 $0x1  }
0x5c: {  	p0 =	sne.s32 s1, $0x0;
	_ =	strace $0x90000047  }
0x5d: {  	s0 =	sadd.s32 @!p0 $0x100000, s0;
	[bflag:$0x2] =	sbarrier.arrive $0xFFFF  }
0x5e: {  	[sflag:s0] =	ssyncadd.tile.s32 @!p0 $0x1;
	_ =	shalt  }
.Lfunc_end1:
_tile_overlayer_lowered:
.L_overlay_start_2:
0x5f: {  	(tag) =	ssettag $0x2  }
0x60: {  	s0 =	rddreg [dreg:$0x0];
	s2 =	stileid.u32  }
0x61: {  	s1 =	rddreg [dreg:$0x1];
	p0 =	sne.s32 s2, $0x0  }
0x62: {  	s3 =	rddreg [dreg:$0x2];
	[bflag:$0x3] =	sbarrier.arrive $0xFFFF;
	s2 =	simm.s32 @!p0 $0x1C01  }
0x63: {  	[timem:s3], [sflag:s2] =	dma.local @!p0 [hbm:s0], s1  }
0x64: {  	s0 =	simm.s32 @!p0 $0x1  }
0x65: {  	_ =	swait.ge @!p0 [sflag:s0], s1  }
0x66: {  	s1 =	ssub.s32 @!p0 $0x0, s1;
	[sflag:s0] =	ssyncset.done @!p0 $0x0  }
0x67: {  	[sflag:s0] =	ssyncadd.s32 @!p0 s1  }
0x68: {  	[bflag:$0x3] =	sbarrier.arrive $0xFFFF  }
0x69: {  	_ =	shalt  }

</sc_bundles>
